<compile_context>
chip_gen: v7x
topology: tpu7x:2x2x1
jax: 0.10.2.dev20260603
libtpu: 0.0.44.dev20260713+nightly
codegen_flags: <defaults>
</compile_context>

<pallas_src>
import functools

import jax
import jax.numpy as jnp
import numpy as np
from jax import lax
from jax.experimental import pallas as pl
from jax.experimental.pallas import tpu as pltpu
from jax.experimental.pallas import tpu_sc as plsc

N_NODES = 10000
N_EDGES = 320000
D_FEAT = 128

NUM_CORES = 2
NUM_SUBCORES = 16
NUM_WORKERS = NUM_CORES * NUM_SUBCORES

EDGES_PER_WORKER = N_EDGES // NUM_WORKERS
CHUNK = 40
NUM_CHUNKS = EDGES_PER_WORKER // CHUNK
ROWS_PER_TILE = 624
ROWS_TAIL = N_NODES - ROWS_PER_TILE * NUM_SUBCORES

NBUF = 5
NDST = 2 * NBUF
IDX_AHEAD = 4
GATHER_AHEAD = 3
SCAT_DRAIN = 2

_ZEROS = np.zeros((N_NODES, D_FEAT), dtype=np.float32)


def _sc_aggregate(x, edges, zeros):
    mesh = plsc.VectorSubcoreMesh(
        core_axis_name="c", subcore_axis_name="s",
        num_cores=NUM_CORES, num_subcores=NUM_SUBCORES)

    rows_t = pltpu.VMEM((CHUNK, D_FEAT), jnp.float32)
    idx_t = pltpu.VMEM((CHUNK,), jnp.int32)
    part_t = jax.ShapeDtypeStruct((N_NODES, D_FEAT), jnp.float32)

    @functools.partial(
        pl.kernel,
        mesh=mesh,
        out_type=(part_t, part_t),
        scratch_types=[
            [idx_t] * NBUF,
            [idx_t] * NDST,
            [rows_t] * NBUF,
            pltpu.VMEM_SHARED((N_NODES, D_FEAT), jnp.float32),
            [pltpu.SemaphoreType.DMA] * NBUF,
            [pltpu.SemaphoreType.DMA] * NBUF,
            [pltpu.SemaphoreType.DMA] * NBUF,
        ],
    )
    def k(x_hbm, edge_hbm, zeros_hbm, out0_hbm, out1_hbm,
          srcb, dstb, rows, acc, isems, gsems, ssems):
        c = lax.axis_index("c")
        s = lax.axis_index("s")
        wid = c * NUM_SUBCORES + s

        base = wid * EDGES_PER_WORKER

        def fire_idx(chunk, bs, bd):
            off = base + chunk * CHUNK
            pltpu.async_copy(edge_hbm.at[pl.ds(off, CHUNK)],
                             srcb[bs], isems[bs])
            pltpu.async_copy(edge_hbm.at[pl.ds(N_EDGES + off, CHUNK)],
                             dstb[bd], isems[bs])

        def wait_idx(bs, bd):
            pltpu.make_async_copy(edge_hbm.at[pl.ds(0, CHUNK)], srcb[bs],
                                  isems[bs]).wait()
            pltpu.make_async_copy(edge_hbm.at[pl.ds(0, CHUNK)], dstb[bd],
                                  isems[bs]).wait()

        def fire_gather(b):
            pltpu.async_copy(x_hbm.at[srcb[b]], rows[b], gsems[b])

        def wait_gather(b):
            pltpu.make_async_copy(x_hbm.at[srcb[b]], rows[b], gsems[b]).wait()

        def fire_scatter(b, bd):
            pltpu.async_copy(rows[b], acc.at[dstb[bd]], ssems[b], add=True)

        def wait_scatter(b, bd):
            pltpu.make_async_copy(rows[b], acc.at[dstb[bd]], ssems[b]).wait()

        for b in range(IDX_AHEAD):
            fire_idx(b, b, b)

        row0 = s * ROWS_PER_TILE
        tail0 = ROWS_PER_TILE * NUM_SUBCORES
        pltpu.sync_copy(zeros_hbm.at[pl.ds(row0, ROWS_PER_TILE)],
                        acc.at[pl.ds(row0, ROWS_PER_TILE)])

        @pl.when(s == 0)
        def _():
            pltpu.sync_copy(zeros_hbm.at[pl.ds(tail0, ROWS_TAIL)],
                            acc.at[pl.ds(tail0, ROWS_TAIL)])

        for b in range(GATHER_AHEAD):
            wait_idx(b, b)
            fire_gather(b)

        plsc.subcore_barrier()

        def body(g, _):
            for b in range(NDST):
                chunk = g * NDST + b

                @pl.when(chunk >= SCAT_DRAIN)
                def _():
                    wait_scatter((b - SCAT_DRAIN) % NBUF,
                                 (b - SCAT_DRAIN) % NDST)

                @pl.when(chunk + IDX_AHEAD < NUM_CHUNKS)
                def _():
                    fire_idx(chunk + IDX_AHEAD, (b + IDX_AHEAD) % NBUF,
                             (b + IDX_AHEAD) % NDST)

                @pl.when(chunk + GATHER_AHEAD < NUM_CHUNKS)
                def _():
                    bg = (b + GATHER_AHEAD) % NBUF
                    wait_idx(bg, (b + GATHER_AHEAD) % NDST)
                    fire_gather(bg)

                wait_gather(b % NBUF)
                fire_scatter(b % NBUF, b % NDST)
            return ()

        lax.fori_loop(0, NUM_CHUNKS // NDST, body, ())
        for back in range(SCAT_DRAIN, 0, -1):
            wait_scatter((NUM_CHUNKS - back) % NBUF, (NUM_CHUNKS - back) % NDST)

        plsc.subcore_barrier()

        @pl.when(c == 0)
        def _():
            pltpu.sync_copy(acc.at[pl.ds(row0, ROWS_PER_TILE)],
                            out0_hbm.at[pl.ds(row0, ROWS_PER_TILE)])

            @pl.when(s == 0)
            def _():
                pltpu.sync_copy(acc.at[pl.ds(tail0, ROWS_TAIL)],
                                out0_hbm.at[pl.ds(tail0, ROWS_TAIL)])

        @pl.when(c == 1)
        def _():
            pltpu.sync_copy(acc.at[pl.ds(row0, ROWS_PER_TILE)],
                            out1_hbm.at[pl.ds(row0, ROWS_PER_TILE)])

            @pl.when(s == 0)
            def _():
                pltpu.sync_copy(acc.at[pl.ds(tail0, ROWS_TAIL)],
                                out1_hbm.at[pl.ds(tail0, ROWS_TAIL)])

    return k(x, edges, zeros)


def _mlp_body(x_ref, a0_ref, a1_ref, w1_ref, b1_ref, w2_ref, b2_ref,
              scale_ref, out_ref):
    h = x_ref[...] * scale_ref[0] + a0_ref[...] + a1_ref[...]
    h = jnp.dot(h, w1_ref[...], preferred_element_type=jnp.float32)
    h = jnp.maximum(h + b1_ref[...], 0.0)
    o = jnp.dot(h, w2_ref[...], preferred_element_type=jnp.float32)
    out_ref[...] = o + b2_ref[...]


def _tc_mlp(x, a0, a1, W1, b1, W2, b2, scale):
    BR = 1000
    grid = (N_NODES // BR,)
    row_spec = pl.BlockSpec((BR, D_FEAT), lambda i: (i, 0))
    full_spec = pl.BlockSpec((D_FEAT, D_FEAT), lambda i: (0, 0))
    bias_spec = pl.BlockSpec((1, D_FEAT), lambda i: (0, 0))
    scale_spec = pl.BlockSpec(memory_space=pltpu.SMEM)
    return pl.pallas_call(
        _mlp_body,
        grid=grid,
        in_specs=[row_spec, row_spec, row_spec, full_spec, bias_spec,
                  full_spec, bias_spec, scale_spec],
        out_specs=row_spec,
        out_shape=jax.ShapeDtypeStruct((N_NODES, D_FEAT), jnp.float32),
    )(x, a0, a1, W1, b1.reshape(1, -1), W2, b2.reshape(1, -1), scale)


def kernel(x, edge_index, edge_attr, W1, b1, W2, b2, eps):
    edges = edge_index.reshape(-1)
    zeros = jnp.asarray(_ZEROS)
    a0, a1 = _sc_aggregate(x, edges, zeros)
    scale = (1.0 + eps).reshape(1).astype(jnp.float32)
    return _tc_mlp(x, a0, a1, W1, b1, W2, b2, scale)

# --- scband reference (transcript-rebuilt; emitter-appended) ---
"""Pipeline reference for scband-ginconv-3693671875302 (READ-ONLY COPY).

The authoritative reference and input builder live on the scoring server;
editing this copy changes nothing except your own understanding.
"""

import jax, jax.numpy as jnp
import numpy as np

N_NODES = 10000
N_EDGES = 320000
D_FEAT = 128
D_EDGE = 16

def setup_inputs(seed: int = 0) -> dict:
    key = jax.random.key(seed)
    ks = jax.random.split(key, 8)
    x = jax.random.normal(ks[0], (N_NODES, D_FEAT), dtype=jnp.float32)
    edge_index = jax.random.randint(ks[1], (2, N_EDGES), 0, N_NODES, dtype=jnp.int32)
    edge_attr = jax.random.normal(ks[2], (N_EDGES, D_EDGE), dtype=jnp.float32)
    # MLP(nin=128, nout=128, nlayers=2): Linear(128,128) -> ReLU -> Linear(128,128)
    s1 = 1.0 / np.sqrt(D_FEAT)
    W1 = jax.random.uniform(ks[3], (D_FEAT, D_FEAT), minval=-s1, maxval=s1, dtype=jnp.float32)
    b1 = jax.random.uniform(ks[4], (D_FEAT,), minval=-s1, maxval=s1, dtype=jnp.float32)
    W2 = jax.random.uniform(ks[5], (D_FEAT, D_FEAT), minval=-s1, maxval=s1, dtype=jnp.float32)
    b2 = jax.random.uniform(ks[6], (D_FEAT,), minval=-s1, maxval=s1, dtype=jnp.float32)
    # GIN trainable eps (train_eps=True), initialized to 0
    eps = jnp.zeros((), dtype=jnp.float32)
    return {"x": x, "edge_index": edge_index, "edge_attr": edge_attr,
            "W1": W1, "b1": b1, "W2": W2, "b2": b2, "eps": eps}

def reference(x, edge_index, edge_attr, W1, b1, W2, b2, eps):
    # PyG GINConv: out = MLP((1 + eps) * x + sum_{j in N(i)} x_j)
    # edge_attr is accepted by the wrapper's forward but unused.
    src = edge_index[0]
    dst = edge_index[1]
    msgs = jnp.take(x, src, axis=0)                      # gather x_j per edge
    agg = jax.ops.segment_sum(msgs, dst, num_segments=x.shape[0])  # scatter-add
    h = (1.0 + eps) * x + agg
    h = jnp.maximum(jnp.dot(h, W1) + b1, 0.0)
    out = jnp.dot(h, W2) + b2
    return out

if __name__ == "__main__":
    import jax
    _d = setup_inputs()
    print(jax.jit(kernel)(*tuple(_d.values())))

</pallas_src>

<mosaic_0001>
#map = affine_map<(d0, d1) -> (0, 0)>
#map1 = affine_map<(d0, d1) -> (0)>
module attributes {stable_mosaic.version = 14 : i64} {
  func.func @k(%arg0: i32, %arg1: i32, %arg2: memref<10000x128xf32, #tpu.memory_space<hbm>>, %arg3: memref<640000xi32, #tpu.memory_space<hbm>>, %arg4: memref<10000x128xf32, #tpu.memory_space<hbm>>, %arg5: memref<10000x128xf32, #tpu.memory_space<hbm>>, %arg6: memref<10000x128xf32, #tpu.memory_space<hbm>>, %arg7: memref<40xi32, #tpu.memory_space<vmem>>, %arg8: memref<40xi32, #tpu.memory_space<vmem>>, %arg9: memref<40xi32, #tpu.memory_space<vmem>>, %arg10: memref<40xi32, #tpu.memory_space<vmem>>, %arg11: memref<40xi32, #tpu.memory_space<vmem>>, %arg12: memref<40xi32, #tpu.memory_space<vmem>>, %arg13: memref<40xi32, #tpu.memory_space<vmem>>, %arg14: memref<40xi32, #tpu.memory_space<vmem>>, %arg15: memref<40xi32, #tpu.memory_space<vmem>>, %arg16: memref<40xi32, #tpu.memory_space<vmem>>, %arg17: memref<40xi32, #tpu.memory_space<vmem>>, %arg18: memref<40xi32, #tpu.memory_space<vmem>>, %arg19: memref<40xi32, #tpu.memory_space<vmem>>, %arg20: memref<40xi32, #tpu.memory_space<vmem>>, %arg21: memref<40xi32, #tpu.memory_space<vmem>>, %arg22: memref<40x128xf32, #tpu.memory_space<vmem>>, %arg23: memref<40x128xf32, #tpu.memory_space<vmem>>, %arg24: memref<40x128xf32, #tpu.memory_space<vmem>>, %arg25: memref<40x128xf32, #tpu.memory_space<vmem>>, %arg26: memref<40x128xf32, #tpu.memory_space<vmem>>, %arg27: memref<10000x128xf32, #tpu.memory_space<vmem_shared>>, %arg28: memref<!tpu.dma_semaphore, #tpu.memory_space<semaphore_mem>>, %arg29: memref<!tpu.dma_semaphore, #tpu.memory_space<semaphore_mem>>, %arg30: memref<!tpu.dma_semaphore, #tpu.memory_space<semaphore_mem>>, %arg31: memref<!tpu.dma_semaphore, #tpu.memory_space<semaphore_mem>>, %arg32: memref<!tpu.dma_semaphore, #tpu.memory_space<semaphore_mem>>, %arg33: memref<!tpu.dma_semaphore, #tpu.memory_space<semaphore_mem>>, %arg34: memref<!tpu.dma_semaphore, #tpu.memory_space<semaphore_mem>>, %arg35: memref<!tpu.dma_semaphore, #tpu.memory_space<semaphore_mem>>, %arg36: memref<!tpu.dma_semaphore, #tpu.memory_space<semaphore_mem>>, %arg37: memref<!tpu.dma_semaphore, #tpu.memory_space<semaphore_mem>>, %arg38: memref<!tpu.dma_semaphore, #tpu.memory_space<semaphore_mem>>, %arg39: memref<!tpu.dma_semaphore, #tpu.memory_space<semaphore_mem>>, %arg40: memref<!tpu.dma_semaphore, #tpu.memory_space<semaphore_mem>>, %arg41: memref<!tpu.dma_semaphore, #tpu.memory_space<semaphore_mem>>, %arg42: memref<!tpu.dma_semaphore, #tpu.memory_space<semaphore_mem>>) attributes {dimension_semantics = [#tpu.dimension_semantics<core_parallel>, #tpu.dimension_semantics<subcore_parallel>], iteration_bounds = array<i64: 2, 16>, scalar_prefetch = 0 : i64, scratch_operands = 36 : i64, tpu.core_type = #tpu.core_type<sc_vector_subcore>, window_params = [{transform_indices = #map}, {transform_indices = #map1}, {transform_indices = #map}, {transform_indices = #map}, {transform_indices = #map}]} {
    %mul3A = arith.constant 16 : i32
    %mul3A_0 = arith.muli %arg0, %mul3A : i32
    %add3A = arith.addi %mul3A_0, %arg1 : i32
    %mul3A_1 = arith.constant 10000 : i32
    %mul3A_2 = arith.muli %add3A, %mul3A_1 : i32
    %add3A_3 = arith.constant 0 : i32
    %add3A_4 = arith.addi %mul3A_2, %add3A_3 : i32
    %dma_start3A = tpu.memref_slice %arg3[%add3A_4] : memref<640000xi32, #tpu.memory_space<hbm>> -> memref<40xi32, #tpu.memory_space<hbm>>
    %dma_start3A_5 = tpu.memref_slice %arg3[%add3A_4] : memref<640000xi32, #tpu.memory_space<hbm>> -> memref<40xi32, #tpu.memory_space<hbm>>
    tpu.enqueue_dma source(%dma_start3A_5 : memref<40xi32, #tpu.memory_space<hbm>>) target(%arg7 : memref<40xi32, #tpu.memory_space<vmem>>) target_semaphore(%arg28 : memref<!tpu.dma_semaphore, #tpu.memory_space<semaphore_mem>>)
    %add3A_6 = arith.constant 320000 : i32
    %add3A_7 = arith.addi %add3A_6, %add3A_4 : i32
    %dma_start3A_8 = tpu.memref_slice %arg3[%add3A_7] : memref<640000xi32, #tpu.memory_space<hbm>> -> memref<40xi32, #tpu.memory_space<hbm>>
    %dma_start3A_9 = tpu.memref_slice %arg3[%add3A_7] : memref<640000xi32, #tpu.memory_space<hbm>> -> memref<40xi32, #tpu.memory_space<hbm>>
    tpu.enqueue_dma source(%dma_start3A_9 : memref<40xi32, #tpu.memory_space<hbm>>) target(%arg12 : memref<40xi32, #tpu.memory_space<vmem>>) target_semaphore(%arg28 : memref<!tpu.dma_semaphore, #tpu.memory_space<semaphore_mem>>)
    %add3A_10 = arith.constant 40 : i32
    %add3A_11 = arith.addi %mul3A_2, %add3A_10 : i32
    %dma_start3A_12 = tpu.memref_slice %arg3[%add3A_11] : memref<640000xi32, #tpu.memory_space<hbm>> -> memref<40xi32, #tpu.memory_space<hbm>>
    %dma_start3A_13 = tpu.memref_slice %arg3[%add3A_11] : memref<640000xi32, #tpu.memory_space<hbm>> -> memref<40xi32, #tpu.memory_space<hbm>>
    tpu.enqueue_dma source(%dma_start3A_13 : memref<40xi32, #tpu.memory_space<hbm>>) target(%arg8 : memref<40xi32, #tpu.memory_space<vmem>>) target_semaphore(%arg29 : memref<!tpu.dma_semaphore, #tpu.memory_space<semaphore_mem>>)
    %add3A_14 = arith.constant 320000 : i32
    %add3A_15 = arith.addi %add3A_14, %add3A_11 : i32
    %dma_start3A_16 = tpu.memref_slice %arg3[%add3A_15] : memref<640000xi32, #tpu.memory_space<hbm>> -> memref<40xi32, #tpu.memory_space<hbm>>
    %dma_start3A_17 = tpu.memref_slice %arg3[%add3A_15] : memref<640000xi32, #tpu.memory_space<hbm>> -> memref<40xi32, #tpu.memory_space<hbm>>
    tpu.enqueue_dma source(%dma_start3A_17 : memref<40xi32, #tpu.memory_space<hbm>>) target(%arg13 : memref<40xi32, #tpu.memory_space<vmem>>) target_semaphore(%arg29 : memref<!tpu.dma_semaphore, #tpu.memory_space<semaphore_mem>>)
    %add3A_18 = arith.constant 80 : i32
    %add3A_19 = arith.addi %mul3A_2, %add3A_18 : i32
    %dma_start3A_20 = tpu.memref_slice %arg3[%add3A_19] : memref<640000xi32, #tpu.memory_space<hbm>> -> memref<40xi32, #tpu.memory_space<hbm>>
    %dma_start3A_21 = tpu.memref_slice %arg3[%add3A_19] : memref<640000xi32, #tpu.memory_space<hbm>> -> memref<40xi32, #tpu.memory_space<hbm>>
    tpu.enqueue_dma source(%dma_start3A_21 : memref<40xi32, #tpu.memory_space<hbm>>) target(%arg9 : memref<40xi32, #tpu.memory_space<vmem>>) target_semaphore(%arg30 : memref<!tpu.dma_semaphore, #tpu.memory_space<semaphore_mem>>)
    %add3A_22 = arith.constant 320000 : i32
    %add3A_23 = arith.addi %add3A_22, %add3A_19 : i32
    %dma_start3A_24 = tpu.memref_slice %arg3[%add3A_23] : memref<640000xi32, #tpu.memory_space<hbm>> -> memref<40xi32, #tpu.memory_space<hbm>>
    %dma_start3A_25 = tpu.memref_slice %arg3[%add3A_23] : memref<640000xi32, #tpu.memory_space<hbm>> -> memref<40xi32, #tpu.memory_space<hbm>>
    tpu.enqueue_dma source(%dma_start3A_25 : memref<40xi32, #tpu.memory_space<hbm>>) target(%arg14 : memref<40xi32, #tpu.memory_space<vmem>>) target_semaphore(%arg30 : memref<!tpu.dma_semaphore, #tpu.memory_space<semaphore_mem>>)
    %add3A_26 = arith.constant 120 : i32
    %add3A_27 = arith.addi %mul3A_2, %add3A_26 : i32
    %dma_start3A_28 = tpu.memref_slice %arg3[%add3A_27] : memref<640000xi32, #tpu.memory_space<hbm>> -> memref<40xi32, #tpu.memory_space<hbm>>
    %dma_start3A_29 = tpu.memref_slice %arg3[%add3A_27] : memref<640000xi32, #tpu.memory_space<hbm>> -> memref<40xi32, #tpu.memory_space<hbm>>
    tpu.enqueue_dma source(%dma_start3A_29 : memref<40xi32, #tpu.memory_space<hbm>>) target(%arg10 : memref<40xi32, #tpu.memory_space<vmem>>) target_semaphore(%arg31 : memref<!tpu.dma_semaphore, #tpu.memory_space<semaphore_mem>>)
    %add3A_30 = arith.constant 320000 : i32
    %add3A_31 = arith.addi %add3A_30, %add3A_27 : i32
    %dma_start3A_32 = tpu.memref_slice %arg3[%add3A_31] : memref<640000xi32, #tpu.memory_space<hbm>> -> memref<40xi32, #tpu.memory_space<hbm>>
    %dma_start3A_33 = tpu.memref_slice %arg3[%add3A_31] : memref<640000xi32, #tpu.memory_space<hbm>> -> memref<40xi32, #tpu.memory_space<hbm>>
    tpu.enqueue_dma source(%dma_start3A_33 : memref<40xi32, #tpu.memory_space<hbm>>) target(%arg15 : memref<40xi32, #tpu.memory_space<vmem>>) target_semaphore(%arg31 : memref<!tpu.dma_semaphore, #tpu.memory_space<semaphore_mem>>)
    %mul3A_34 = arith.constant 624 : i32
    %mul3A_35 = arith.muli %arg1, %mul3A_34 : i32
    "tpu.region"() ({
      %run_scoped3A = tpu.sem_alloc : memref<!tpu.dma_semaphore, #tpu.memory_space<semaphore_mem>>
      %dma_start3A_91 = arith.constant 0 : i32
      %dma_start3A_92 = tpu.memref_slice %arg27[%mul3A_35, %dma_start3A_91] : memref<10000x128xf32, #tpu.memory_space<vmem_shared>> -> memref<624x128xf32, #tpu.memory_space<vmem_shared>>
      %dma_start3A_93 = arith.constant 0 : i32
      %dma_start3A_94 = tpu.memref_slice %arg4[%mul3A_35, %dma_start3A_93] : memref<10000x128xf32, #tpu.memory_space<hbm>> -> memref<624x128xf32, #tpu.memory_space<hbm>>
      tpu.enqueue_dma source(%dma_start3A_94 : memref<624x128xf32, #tpu.memory_space<hbm>>) target(%dma_start3A_92 : memref<624x128xf32, #tpu.memory_space<vmem_shared>>) target_semaphore(%run_scoped3A : memref<!tpu.dma_semaphore, #tpu.memory_space<semaphore_mem>>)
      %dma_wait3A_95 = arith.constant 0 : i32
      %dma_wait3A_96 = tpu.memref_slice %arg27[%mul3A_35, %dma_wait3A_95] : memref<10000x128xf32, #tpu.memory_space<vmem_shared>> -> memref<624x128xf32, #tpu.memory_space<vmem_shared>>
      %dma_wait3A_97 = arith.constant 0 : i32
      %dma_wait3A_98 = tpu.memref_slice %arg4[%mul3A_35, %dma_wait3A_97] : memref<10000x128xf32, #tpu.memory_space<hbm>> -> memref<624x128xf32, #tpu.memory_space<hbm>>
      tpu.wait_dma2 semaphore(%run_scoped3A : memref<!tpu.dma_semaphore, #tpu.memory_space<semaphore_mem>>) src(%dma_wait3A_98 : memref<624x128xf32, #tpu.memory_space<hbm>>) dst(%dma_wait3A_96 : memref<624x128xf32, #tpu.memory_space<vmem_shared>>)
      tpu.yield
    }) : () -> ()
    %eq3A = arith.constant 0 : i32
    %eq3A_36 = arith.cmpi eq, %arg1, %eq3A : i32
    %convert_element_type3A = arith.extui %eq3A_36 : i1 to i32
    %cond3A = arith.constant 0 : i32
    %cond3A_37 = arith.cmpi ne, %convert_element_type3A, %cond3A : i32
    scf.if %cond3A_37 {
      "tpu.region"() ({
        %run_scoped3A = tpu.sem_alloc : memref<!tpu.dma_semaphore, #tpu.memory_space<semaphore_mem>>
        %dma_start3A_91 = arith.constant 9984 : i32
        %dma_start3A_92 = arith.constant 0 : i32
        %dma_start3A_93 = tpu.memref_slice %arg27[%dma_start3A_91, %dma_start3A_92] : memref<10000x128xf32, #tpu.memory_space<vmem_shared>> -> memref<16x128xf32, #tpu.memory_space<vmem_shared>>
        %dma_start3A_94 = arith.constant 9984 : i32
        %dma_start3A_95 = arith.constant 0 : i32
        %dma_start3A_96 = tpu.memref_slice %arg4[%dma_start3A_94, %dma_start3A_95] : memref<10000x128xf32, #tpu.memory_space<hbm>> -> memref<16x128xf32, #tpu.memory_space<hbm>>
        tpu.enqueue_dma source(%dma_start3A_96 : memref<16x128xf32, #tpu.memory_space<hbm>>) target(%dma_start3A_93 : memref<16x128xf32, #tpu.memory_space<vmem_shared>>) target_semaphore(%run_scoped3A : memref<!tpu.dma_semaphore, #tpu.memory_space<semaphore_mem>>)
        %dma_wait3A_97 = arith.constant 9984 : i32
        %dma_wait3A_98 = arith.constant 0 : i32
        %dma_wait3A_99 = tpu.memref_slice %arg27[%dma_wait3A_97, %dma_wait3A_98] : memref<10000x128xf32, #tpu.memory_space<vmem_shared>> -> memref<16x128xf32, #tpu.memory_space<vmem_shared>>
        %dma_wait3A_100 = arith.constant 9984 : i32
        %dma_wait3A_101 = arith.constant 0 : i32
        %dma_wait3A_102 = tpu.memref_slice %arg4[%dma_wait3A_100, %dma_wait3A_101] : memref<10000x128xf32, #tpu.memory_space<hbm>> -> memref<16x128xf32, #tpu.memory_space<hbm>>
        tpu.wait_dma2 semaphore(%run_scoped3A : memref<!tpu.dma_semaphore, #tpu.memory_space<semaphore_mem>>) src(%dma_wait3A_102 : memref<16x128xf32, #tpu.memory_space<hbm>>) dst(%dma_wait3A_99 : memref<16x128xf32, #tpu.memory_space<vmem_shared>>)
        tpu.yield
      }) : () -> ()
    } else {
    }
    %dma_wait3A = arith.constant 0 : i32
    %dma_wait3A_38 = tpu.memref_slice %arg3[%dma_wait3A] : memref<640000xi32, #tpu.memory_space<hbm>> -> memref<40xi32, #tpu.memory_space<hbm>>
    %dma_wait3A_39 = arith.constant 0 : i32
    %dma_wait3A_40 = tpu.memref_slice %arg3[%dma_wait3A_39] : memref<640000xi32, #tpu.memory_space<hbm>> -> memref<40xi32, #tpu.memory_space<hbm>>
    tpu.wait_dma2 semaphore(%arg28 : memref<!tpu.dma_semaphore, #tpu.memory_space<semaphore_mem>>) src(%dma_wait3A_40 : memref<40xi32, #tpu.memory_space<hbm>>) dst(%arg7 : memref<40xi32, #tpu.memory_space<vmem>>)
    %dma_wait3A_41 = arith.constant 0 : i32
    %dma_wait3A_42 = tpu.memref_slice %arg3[%dma_wait3A_41] : memref<640000xi32, #tpu.memory_space<hbm>> -> memref<40xi32, #tpu.memory_space<hbm>>
    %dma_wait3A_43 = arith.constant 0 : i32
    %dma_wait3A_44 = tpu.memref_slice %arg3[%dma_wait3A_43] : memref<640000xi32, #tpu.memory_space<hbm>> -> memref<40xi32, #tpu.memory_space<hbm>>
    tpu.wait_dma2 semaphore(%arg28 : memref<!tpu.dma_semaphore, #tpu.memory_space<semaphore_mem>>) src(%dma_wait3A_44 : memref<40xi32, #tpu.memory_space<hbm>>) dst(%arg12 : memref<40xi32, #tpu.memory_space<vmem>>)
    %dma_start3A_45 = arith.constant 0 : i32
    %dma_start3A_46 = arith.constant 0 : i32
    %dma_start3A_47 = tpu.memref_slice %arg2[%dma_start3A_45, %dma_start3A_46] : memref<10000x128xf32, #tpu.memory_space<hbm>> -> memref<10000x128xf32, #tpu.memory_space<hbm>>
    tpu.enqueue_indirect_dma source(%dma_start3A_47 : memref<10000x128xf32, #tpu.memory_space<hbm>>) target(%arg22 : memref<40x128xf32, #tpu.memory_space<vmem>>) offsets(%arg7 : memref<40xi32, #tpu.memory_space<vmem>>) semaphore(%arg33 : memref<!tpu.dma_semaphore, #tpu.memory_space<semaphore_mem>>)
    %dma_wait3A_48 = arith.constant 0 : i32
    %dma_wait3A_49 = tpu.memref_slice %arg3[%dma_wait3A_48] : memref<640000xi32, #tpu.memory_space<hbm>> -> memref<40xi32, #tpu.memory_space<hbm>>
    %dma_wait3A_50 = arith.constant 0 : i32
    %dma_wait3A_51 = tpu.memref_slice %arg3[%dma_wait3A_50] : memref<640000xi32, #tpu.memory_space<hbm>> -> memref<40xi32, #tpu.memory_space<hbm>>
    tpu.wait_dma2 semaphore(%arg29 : memref<!tpu.dma_semaphore, #tpu.memory_space<semaphore_mem>>) src(%dma_wait3A_51 : memref<40xi32, #tpu.memory_space<hbm>>) dst(%arg8 : memref<40xi32, #tpu.memory_space<vmem>>)
    %dma_wait3A_52 = arith.constant 0 : i32
    %dma_wait3A_53 = tpu.memref_slice %arg3[%dma_wait3A_52] : memref<640000xi32, #tpu.memory_space<hbm>> -> memref<40xi32, #tpu.memory_space<hbm>>
    %dma_wait3A_54 = arith.constant 0 : i32
    %dma_wait3A_55 = tpu.memref_slice %arg3[%dma_wait3A_54] : memref<640000xi32, #tpu.memory_space<hbm>> -> memref<40xi32, #tpu.memory_space<hbm>>
    tpu.wait_dma2 semaphore(%arg29 : memref<!tpu.dma_semaphore, #tpu.memory_space<semaphore_mem>>) src(%dma_wait3A_55 : memref<40xi32, #tpu.memory_space<hbm>>) dst(%arg13 : memref<40xi32, #tpu.memory_space<vmem>>)
    %dma_start3A_56 = arith.constant 0 : i32
    %dma_start3A_57 = arith.constant 0 : i32
    %dma_start3A_58 = tpu.memref_slice %arg2[%dma_start3A_56, %dma_start3A_57] : memref<10000x128xf32, #tpu.memory_space<hbm>> -> memref<10000x128xf32, #tpu.memory_space<hbm>>
    tpu.enqueue_indirect_dma source(%dma_start3A_58 : memref<10000x128xf32, #tpu.memory_space<hbm>>) target(%arg23 : memref<40x128xf32, #tpu.memory_space<vmem>>) offsets(%arg8 : memref<40xi32, #tpu.memory_space<vmem>>) semaphore(%arg34 : memref<!tpu.dma_semaphore, #tpu.memory_space<semaphore_mem>>)
    %dma_wait3A_59 = arith.constant 0 : i32
    %dma_wait3A_60 = tpu.memref_slice %arg3[%dma_wait3A_59] : memref<640000xi32, #tpu.memory_space<hbm>> -> memref<40xi32, #tpu.memory_space<hbm>>
    %dma_wait3A_61 = arith.constant 0 : i32
    %dma_wait3A_62 = tpu.memref_slice %arg3[%dma_wait3A_61] : memref<640000xi32, #tpu.memory_space<hbm>> -> memref<40xi32, #tpu.memory_space<hbm>>
    tpu.wait_dma2 semaphore(%arg30 : memref<!tpu.dma_semaphore, #tpu.memory_space<semaphore_mem>>) src(%dma_wait3A_62 : memref<40xi32, #tpu.memory_space<hbm>>) dst(%arg9 : memref<40xi32, #tpu.memory_space<vmem>>)
    %dma_wait3A_63 = arith.constant 0 : i32
    %dma_wait3A_64 = tpu.memref_slice %arg3[%dma_wait3A_63] : memref<640000xi32, #tpu.memory_space<hbm>> -> memref<40xi32, #tpu.memory_space<hbm>>
    %dma_wait3A_65 = arith.constant 0 : i32
    %dma_wait3A_66 = tpu.memref_slice %arg3[%dma_wait3A_65] : memref<640000xi32, #tpu.memory_space<hbm>> -> memref<40xi32, #tpu.memory_space<hbm>>
    tpu.wait_dma2 semaphore(%arg30 : memref<!tpu.dma_semaphore, #tpu.memory_space<semaphore_mem>>) src(%dma_wait3A_66 : memref<40xi32, #tpu.memory_space<hbm>>) dst(%arg14 : memref<40xi32, #tpu.memory_space<vmem>>)
    %dma_start3A_67 = arith.constant 0 : i32
    %dma_start3A_68 = arith.constant 0 : i32
    %dma_start3A_69 = tpu.memref_slice %arg2[%dma_start3A_67, %dma_start3A_68] : memref<10000x128xf32, #tpu.memory_space<hbm>> -> memref<10000x128xf32, #tpu.memory_space<hbm>>
    tpu.enqueue_indirect_dma source(%dma_start3A_69 : memref<10000x128xf32, #tpu.memory_space<hbm>>) target(%arg24 : memref<40x128xf32, #tpu.memory_space<vmem>>) offsets(%arg9 : memref<40xi32, #tpu.memory_space<vmem>>) semaphore(%arg35 : memref<!tpu.dma_semaphore, #tpu.memory_space<semaphore_mem>>)
    %barrier3A = arith.constant 0 : index
    tpu.barrier barrier_id(%barrier3A)
    %scan3A = arith.constant 0 : i32
    %scan3A_70 = arith.constant 25 : i32
    %scan3A_71 = arith.addi %scan3A, %scan3A_70 : i32
    %scan3A_72 = arith.constant 1 : i32
    scf.for %scan3A_91 = %scan3A to %scan3A_71 step %scan3A_72  : i32 {
      %mul3A_92 = arith.constant 10 : i32
      %mul3A_93 = arith.muli %scan3A_91, %mul3A_92 : i32
      %add3A_94 = arith.constant 0 : i32
      %add3A_95 = arith.addi %mul3A_93, %add3A_94 : i32
      %ge3A = arith.constant 2 : i32
      %ge3A_96 = arith.cmpi sge, %add3A_95, %ge3A : i32
      %convert_element_type3A_97 = arith.extui %ge3A_96 : i1 to i32
      %cond3A_98 = arith.constant 0 : i32
      %cond3A_99 = arith.cmpi ne, %convert_element_type3A_97, %cond3A_98 : i32
      scf.if %cond3A_99 {
        %dma_wait3A_380 = arith.constant 0 : i32
        %dma_wait3A_381 = arith.constant 0 : i32
        %dma_wait3A_382 = tpu.memref_slice %arg27[%dma_wait3A_380, %dma_wait3A_381] : memref<10000x128xf32, #tpu.memory_space<vmem_shared>> -> memref<10000x128xf32, #tpu.memory_space<vmem_shared>>
        tpu.wait_indirect_dma semaphore(%arg41 : memref<!tpu.dma_semaphore, #tpu.memory_space<semaphore_mem>>) src(%arg25 : memref<40x128xf32, #tpu.memory_space<vmem>>) dst(%dma_wait3A_382 : memref<10000x128xf32, #tpu.memory_space<vmem_shared>>)
      } else {
      }
      %add3A_100 = arith.constant 4 : i32
      %add3A_101 = arith.addi %add3A_95, %add3A_100 : i32
      %lt3A = arith.constant 250 : i32
      %lt3A_102 = arith.cmpi slt, %add3A_101, %lt3A : i32
      %convert_element_type3A_103 = arith.extui %lt3A_102 : i1 to i32
      %cond3A_104 = arith.constant 0 : i32
      %cond3A_105 = arith.cmpi ne, %convert_element_type3A_103, %cond3A_104 : i32
      scf.if %cond3A_105 {
        %add3A_380 = arith.constant 4 : i32
        %add3A_381 = arith.addi %add3A_95, %add3A_380 : i32
        %mul3A_382 = arith.constant 40 : i32
        %mul3A_383 = arith.muli %add3A_381, %mul3A_382 : i32
        %add3A_384 = arith.addi %mul3A_2, %mul3A_383 : i32
        %dma_start3A_385 = tpu.memref_slice %arg3[%add3A_384] : memref<640000xi32, #tpu.memory_space<hbm>> -> memref<40xi32, #tpu.memory_space<hbm>>
        %dma_start3A_386 = tpu.memref_slice %arg3[%add3A_384] : memref<640000xi32, #tpu.memory_space<hbm>> -> memref<40xi32, #tpu.memory_space<hbm>>
        tpu.enqueue_dma source(%dma_start3A_386 : memref<40xi32, #tpu.memory_space<hbm>>) target(%arg11 : memref<40xi32, #tpu.memory_space<vmem>>) target_semaphore(%arg32 : memref<!tpu.dma_semaphore, #tpu.memory_space<semaphore_mem>>)
        %add3A_387 = arith.constant 320000 : i32
        %add3A_388 = arith.addi %add3A_387, %add3A_384 : i32
        %dma_start3A_389 = tpu.memref_slice %arg3[%add3A_388] : memref<640000xi32, #tpu.memory_space<hbm>> -> memref<40xi32, #tpu.memory_space<hbm>>
        %dma_start3A_390 = tpu.memref_slice %arg3[%add3A_388] : memref<640000xi32, #tpu.memory_space<hbm>> -> memref<40xi32, #tpu.memory_space<hbm>>
        tpu.enqueue_dma source(%dma_start3A_390 : memref<40xi32, #tpu.memory_space<hbm>>) target(%arg16 : memref<40xi32, #tpu.memory_space<vmem>>) target_semaphore(%arg32 : memref<!tpu.dma_semaphore, #tpu.memory_space<semaphore_mem>>)
      } else {
      }
      %add3A_106 = arith.constant 3 : i32
      %add3A_107 = arith.addi %add3A_95, %add3A_106 : i32
      %lt3A_108 = arith.constant 250 : i32
      %lt3A_109 = arith.cmpi slt, %add3A_107, %lt3A_108 : i32
      %convert_element_type3A_110 = arith.extui %lt3A_109 : i1 to i32
      %cond3A_111 = arith.constant 0 : i32
      %cond3A_112 = arith.cmpi ne, %convert_element_type3A_110, %cond3A_111 : i32
      scf.if %cond3A_112 {
        %dma_wait3A_380 = arith.constant 0 : i32
        %dma_wait3A_381 = tpu.memref_slice %arg3[%dma_wait3A_380] : memref<640000xi32, #tpu.memory_space<hbm>> -> memref<40xi32, #tpu.memory_space<hbm>>
        %dma_wait3A_382 = arith.constant 0 : i32
        %dma_wait3A_383 = tpu.memref_slice %arg3[%dma_wait3A_382] : memref<640000xi32, #tpu.memory_space<hbm>> -> memref<40xi32, #tpu.memory_space<hbm>>
        tpu.wait_dma2 semaphore(%arg31 : memref<!tpu.dma_semaphore, #tpu.memory_space<semaphore_mem>>) src(%dma_wait3A_383 : memref<40xi32, #tpu.memory_space<hbm>>) dst(%arg10 : memref<40xi32, #tpu.memory_space<vmem>>)
        %dma_wait3A_384 = arith.constant 0 : i32
        %dma_wait3A_385 = tpu.memref_slice %arg3[%dma_wait3A_384] : memref<640000xi32, #tpu.memory_space<hbm>> -> memref<40xi32, #tpu.memory_space<hbm>>
        %dma_wait3A_386 = arith.constant 0 : i32
        %dma_wait3A_387 = tpu.memref_slice %arg3[%dma_wait3A_386] : memref<640000xi32, #tpu.memory_space<hbm>> -> memref<40xi32, #tpu.memory_space<hbm>>
        tpu.wait_dma2 semaphore(%arg31 : memref<!tpu.dma_semaphore, #tpu.memory_space<semaphore_mem>>) src(%dma_wait3A_387 : memref<40xi32, #tpu.memory_space<hbm>>) dst(%arg15 : memref<40xi32, #tpu.memory_space<vmem>>)
        %dma_start3A_388 = arith.constant 0 : i32
        %dma_start3A_389 = arith.constant 0 : i32
        %dma_start3A_390 = tpu.memref_slice %arg2[%dma_start3A_388, %dma_start3A_389] : memref<10000x128xf32, #tpu.memory_space<hbm>> -> memref<10000x128xf32, #tpu.memory_space<hbm>>
        tpu.enqueue_indirect_dma source(%dma_start3A_390 : memref<10000x128xf32, #tpu.memory_space<hbm>>) target(%arg25 : memref<40x128xf32, #tpu.memory_space<vmem>>) offsets(%arg10 : memref<40xi32, #tpu.memory_space<vmem>>) semaphore(%arg36 : memref<!tpu.dma_semaphore, #tpu.memory_space<semaphore_mem>>)
      } else {
      }
      %dma_wait3A_113 = arith.constant 0 : i32
      %dma_wait3A_114 = arith.constant 0 : i32
      %dma_wait3A_115 = tpu.memref_slice %arg2[%dma_wait3A_113, %dma_wait3A_114] : memref<10000x128xf32, #tpu.memory_space<hbm>> -> memref<10000x128xf32, #tpu.memory_space<hbm>>
      tpu.wait_indirect_dma semaphore(%arg33 : memref<!tpu.dma_semaphore, #tpu.memory_space<semaphore_mem>>) src(%dma_wait3A_115 : memref<10000x128xf32, #tpu.memory_space<hbm>>) dst(%arg22 : memref<40x128xf32, #tpu.memory_space<vmem>>)
      %dma_start3A_116 = arith.constant 0 : i32
      %dma_start3A_117 = arith.constant 0 : i32
      %dma_start3A_118 = tpu.memref_slice %arg27[%dma_start3A_116, %dma_start3A_117] : memref<10000x128xf32, #tpu.memory_space<vmem_shared>> -> memref<10000x128xf32, #tpu.memory_space<vmem_shared>>
      tpu.enqueue_indirect_dma source(%arg22 : memref<40x128xf32, #tpu.memory_space<vmem>>) target(%dma_start3A_118 : memref<10000x128xf32, #tpu.memory_space<vmem_shared>>) offsets(%arg12 : memref<40xi32, #tpu.memory_space<vmem>>) semaphore(%arg38 : memref<!tpu.dma_semaphore, #tpu.memory_space<semaphore_mem>>) {add = true}
      %mul3A_119 = arith.constant 10 : i32
      %mul3A_120 = arith.muli %scan3A_91, %mul3A_119 : i32
      %add3A_121 = arith.constant 1 : i32
      %add3A_122 = arith.addi %mul3A_120, %add3A_121 : i32
      %ge3A_123 = arith.constant 2 : i32
      %ge3A_124 = arith.cmpi sge, %add3A_122, %ge3A_123 : i32
      %convert_element_type3A_125 = arith.extui %ge3A_124 : i1 to i32
      %cond3A_126 = arith.constant 0 : i32
      %cond3A_127 = arith.cmpi ne, %convert_element_type3A_125, %cond3A_126 : i32
      scf.if %cond3A_127 {
        %dma_wait3A_380 = arith.constant 0 : i32
        %dma_wait3A_381 = arith.constant 0 : i32
        %dma_wait3A_382 = tpu.memref_slice %arg27[%dma_wait3A_380, %dma_wait3A_381] : memref<10000x128xf32, #tpu.memory_space<vmem_shared>> -> memref<10000x128xf32, #tpu.memory_space<vmem_shared>>
        tpu.wait_indirect_dma semaphore(%arg42 : memref<!tpu.dma_semaphore, #tpu.memory_space<semaphore_mem>>) src(%arg26 : memref<40x128xf32, #tpu.memory_space<vmem>>) dst(%dma_wait3A_382 : memref<10000x128xf32, #tpu.memory_space<vmem_shared>>)
      } else {
      }
      %add3A_128 = arith.constant 4 : i32
      %add3A_129 = arith.addi %add3A_122, %add3A_128 : i32
      %lt3A_130 = arith.constant 250 : i32
      %lt3A_131 = arith.cmpi slt, %add3A_129, %lt3A_130 : i32
      %convert_element_type3A_132 = arith.extui %lt3A_131 : i1 to i32
      %cond3A_133 = arith.constant 0 : i32
      %cond3A_134 = arith.cmpi ne, %convert_element_type3A_132, %cond3A_133 : i32
      scf.if %cond3A_134 {
        %add3A_380 = arith.constant 4 : i32
        %add3A_381 = arith.addi %add3A_122, %add3A_380 : i32
        %mul3A_382 = arith.constant 40 : i32
        %mul3A_383 = arith.muli %add3A_381, %mul3A_382 : i32
        %add3A_384 = arith.addi %mul3A_2, %mul3A_383 : i32
        %dma_start3A_385 = tpu.memref_slice %arg3[%add3A_384] : memref<640000xi32, #tpu.memory_space<hbm>> -> memref<40xi32, #tpu.memory_space<hbm>>
        %dma_start3A_386 = tpu.memref_slice %arg3[%add3A_384] : memref<640000xi32, #tpu.memory_space<hbm>> -> memref<40xi32, #tpu.memory_space<hbm>>
        tpu.enqueue_dma source(%dma_start3A_386 : memref<40xi32, #tpu.memory_space<hbm>>) target(%arg7 : memref<40xi32, #tpu.memory_space<vmem>>) target_semaphore(%arg28 : memref<!tpu.dma_semaphore, #tpu.memory_space<semaphore_mem>>)
        %add3A_387 = arith.constant 320000 : i32
        %add3A_388 = arith.addi %add3A_387, %add3A_384 : i32
        %dma_start3A_389 = tpu.memref_slice %arg3[%add3A_388] : memref<640000xi32, #tpu.memory_space<hbm>> -> memref<40xi32, #tpu.memory_space<hbm>>
        %dma_start3A_390 = tpu.memref_slice %arg3[%add3A_388] : memref<640000xi32, #tpu.memory_space<hbm>> -> memref<40xi32, #tpu.memory_space<hbm>>
        tpu.enqueue_dma source(%dma_start3A_390 : memref<40xi32, #tpu.memory_space<hbm>>) target(%arg17 : memref<40xi32, #tpu.memory_space<vmem>>) target_semaphore(%arg28 : memref<!tpu.dma_semaphore, #tpu.memory_space<semaphore_mem>>)
      } else {
      }
      %add3A_135 = arith.constant 3 : i32
      %add3A_136 = arith.addi %add3A_122, %add3A_135 : i32
      %lt3A_137 = arith.constant 250 : i32
      %lt3A_138 = arith.cmpi slt, %add3A_136, %lt3A_137 : i32
      %convert_element_type3A_139 = arith.extui %lt3A_138 : i1 to i32
      %cond3A_140 = arith.constant 0 : i32
      %cond3A_141 = arith.cmpi ne, %convert_element_type3A_139, %cond3A_140 : i32
      scf.if %cond3A_141 {
        %dma_wait3A_380 = arith.constant 0 : i32
        %dma_wait3A_381 = tpu.memref_slice %arg3[%dma_wait3A_380] : memref<640000xi32, #tpu.memory_space<hbm>> -> memref<40xi32, #tpu.memory_space<hbm>>
        %dma_wait3A_382 = arith.constant 0 : i32
        %dma_wait3A_383 = tpu.memref_slice %arg3[%dma_wait3A_382] : memref<640000xi32, #tpu.memory_space<hbm>> -> memref<40xi32, #tpu.memory_space<hbm>>
        tpu.wait_dma2 semaphore(%arg32 : memref<!tpu.dma_semaphore, #tpu.memory_space<semaphore_mem>>) src(%dma_wait3A_383 : memref<40xi32, #tpu.memory_space<hbm>>) dst(%arg11 : memref<40xi32, #tpu.memory_space<vmem>>)
        %dma_wait3A_384 = arith.constant 0 : i32
        %dma_wait3A_385 = tpu.memref_slice %arg3[%dma_wait3A_384] : memref<640000xi32, #tpu.memory_space<hbm>> -> memref<40xi32, #tpu.memory_space<hbm>>
        %dma_wait3A_386 = arith.constant 0 : i32
        %dma_wait3A_387 = tpu.memref_slice %arg3[%dma_wait3A_386] : memref<640000xi32, #tpu.memory_space<hbm>> -> memref<40xi32, #tpu.memory_space<hbm>>
        tpu.wait_dma2 semaphore(%arg32 : memref<!tpu.dma_semaphore, #tpu.memory_space<semaphore_mem>>) src(%dma_wait3A_387 : memref<40xi32, #tpu.memory_space<hbm>>) dst(%arg16 : memref<40xi32, #tpu.memory_space<vmem>>)
        %dma_start3A_388 = arith.constant 0 : i32
        %dma_start3A_389 = arith.constant 0 : i32
        %dma_start3A_390 = tpu.memref_slice %arg2[%dma_start3A_388, %dma_start3A_389] : memref<10000x128xf32, #tpu.memory_space<hbm>> -> memref<10000x128xf32, #tpu.memory_space<hbm>>
        tpu.enqueue_indirect_dma source(%dma_start3A_390 : memref<10000x128xf32, #tpu.memory_space<hbm>>) target(%arg26 : memref<40x128xf32, #tpu.memory_space<vmem>>) offsets(%arg11 : memref<40xi32, #tpu.memory_space<vmem>>) semaphore(%arg37 : memref<!tpu.dma_semaphore, #tpu.memory_space<semaphore_mem>>)
      } else {
      }
      %dma_wait3A_142 = arith.constant 0 : i32
      %dma_wait3A_143 = arith.constant 0 : i32
      %dma_wait3A_144 = tpu.memref_slice %arg2[%dma_wait3A_142, %dma_wait3A_143] : memref<10000x128xf32, #tpu.memory_space<hbm>> -> memref<10000x128xf32, #tpu.memory_space<hbm>>
      tpu.wait_indirect_dma semaphore(%arg34 : memref<!tpu.dma_semaphore, #tpu.memory_space<semaphore_mem>>) src(%dma_wait3A_144 : memref<10000x128xf32, #tpu.memory_space<hbm>>) dst(%arg23 : memref<40x128xf32, #tpu.memory_space<vmem>>)
      %dma_start3A_145 = arith.constant 0 : i32
      %dma_start3A_146 = arith.constant 0 : i32
      %dma_start3A_147 = tpu.memref_slice %arg27[%dma_start3A_145, %dma_start3A_146] : memref<10000x128xf32, #tpu.memory_space<vmem_shared>> -> memref<10000x128xf32, #tpu.memory_space<vmem_shared>>
      tpu.enqueue_indirect_dma source(%arg23 : memref<40x128xf32, #tpu.memory_space<vmem>>) target(%dma_start3A_147 : memref<10000x128xf32, #tpu.memory_space<vmem_shared>>) offsets(%arg13 : memref<40xi32, #tpu.memory_space<vmem>>) semaphore(%arg39 : memref<!tpu.dma_semaphore, #tpu.memory_space<semaphore_mem>>) {add = true}
      %mul3A_148 = arith.constant 10 : i32
      %mul3A_149 = arith.muli %scan3A_91, %mul3A_148 : i32
      %add3A_150 = arith.constant 2 : i32
      %add3A_151 = arith.addi %mul3A_149, %add3A_150 : i32
      %ge3A_152 = arith.constant 2 : i32
      %ge3A_153 = arith.cmpi sge, %add3A_151, %ge3A_152 : i32
      %convert_element_type3A_154 = arith.extui %ge3A_153 : i1 to i32
      %cond3A_155 = arith.constant 0 : i32
      %cond3A_156 = arith.cmpi ne, %convert_element_type3A_154, %cond3A_155 : i32
      scf.if %cond3A_156 {
        %dma_wait3A_380 = arith.constant 0 : i32
        %dma_wait3A_381 = arith.constant 0 : i32
        %dma_wait3A_382 = tpu.memref_slice %arg27[%dma_wait3A_380, %dma_wait3A_381] : memref<10000x128xf32, #tpu.memory_space<vmem_shared>> -> memref<10000x128xf32, #tpu.memory_space<vmem_shared>>
        tpu.wait_indirect_dma semaphore(%arg38 : memref<!tpu.dma_semaphore, #tpu.memory_space<semaphore_mem>>) src(%arg22 : memref<40x128xf32, #tpu.memory_space<vmem>>) dst(%dma_wait3A_382 : memref<10000x128xf32, #tpu.memory_space<vmem_shared>>)
      } else {
      }
      %add3A_157 = arith.constant 4 : i32
      %add3A_158 = arith.addi %add3A_151, %add3A_157 : i32
      %lt3A_159 = arith.constant 250 : i32
      %lt3A_160 = arith.cmpi slt, %add3A_158, %lt3A_159 : i32
      %convert_element_type3A_161 = arith.extui %lt3A_160 : i1 to i32
      %cond3A_162 = arith.constant 0 : i32
      %cond3A_163 = arith.cmpi ne, %convert_element_type3A_161, %cond3A_162 : i32
      scf.if %cond3A_163 {
        %add3A_380 = arith.constant 4 : i32
        %add3A_381 = arith.addi %add3A_151, %add3A_380 : i32
        %mul3A_382 = arith.constant 40 : i32
        %mul3A_383 = arith.muli %add3A_381, %mul3A_382 : i32
        %add3A_384 = arith.addi %mul3A_2, %mul3A_383 : i32
        %dma_start3A_385 = tpu.memref_slice %arg3[%add3A_384] : memref<640000xi32, #tpu.memory_space<hbm>> -> memref<40xi32, #tpu.memory_space<hbm>>
        %dma_start3A_386 = tpu.memref_slice %arg3[%add3A_384] : memref<640000xi32, #tpu.memory_space<hbm>> -> memref<40xi32, #tpu.memory_space<hbm>>
        tpu.enqueue_dma source(%dma_start3A_386 : memref<40xi32, #tpu.memory_space<hbm>>) target(%arg8 : memref<40xi32, #tpu.memory_space<vmem>>) target_semaphore(%arg29 : memref<!tpu.dma_semaphore, #tpu.memory_space<semaphore_mem>>)
        %add3A_387 = arith.constant 320000 : i32
        %add3A_388 = arith.addi %add3A_387, %add3A_384 : i32
        %dma_start3A_389 = tpu.memref_slice %arg3[%add3A_388] : memref<640000xi32, #tpu.memory_space<hbm>> -> memref<40xi32, #tpu.memory_space<hbm>>
        %dma_start3A_390 = tpu.memref_slice %arg3[%add3A_388] : memref<640000xi32, #tpu.memory_space<hbm>> -> memref<40xi32, #tpu.memory_space<hbm>>
        tpu.enqueue_dma source(%dma_start3A_390 : memref<40xi32, #tpu.memory_space<hbm>>) target(%arg18 : memref<40xi32, #tpu.memory_space<vmem>>) target_semaphore(%arg29 : memref<!tpu.dma_semaphore, #tpu.memory_space<semaphore_mem>>)
      } else {
      }
      %add3A_164 = arith.constant 3 : i32
      %add3A_165 = arith.addi %add3A_151, %add3A_164 : i32
      %lt3A_166 = arith.constant 250 : i32
      %lt3A_167 = arith.cmpi slt, %add3A_165, %lt3A_166 : i32
      %convert_element_type3A_168 = arith.extui %lt3A_167 : i1 to i32
      %cond3A_169 = arith.constant 0 : i32
      %cond3A_170 = arith.cmpi ne, %convert_element_type3A_168, %cond3A_169 : i32
      scf.if %cond3A_170 {
        %dma_wait3A_380 = arith.constant 0 : i32
        %dma_wait3A_381 = tpu.memref_slice %arg3[%dma_wait3A_380] : memref<640000xi32, #tpu.memory_space<hbm>> -> memref<40xi32, #tpu.memory_space<hbm>>
        %dma_wait3A_382 = arith.constant 0 : i32
        %dma_wait3A_383 = tpu.memref_slice %arg3[%dma_wait3A_382] : memref<640000xi32, #tpu.memory_space<hbm>> -> memref<40xi32, #tpu.memory_space<hbm>>
        tpu.wait_dma2 semaphore(%arg28 : memref<!tpu.dma_semaphore, #tpu.memory_space<semaphore_mem>>) src(%dma_wait3A_383 : memref<40xi32, #tpu.memory_space<hbm>>) dst(%arg7 : memref<40xi32, #tpu.memory_space<vmem>>)
        %dma_wait3A_384 = arith.constant 0 : i32
        %dma_wait3A_385 = tpu.memref_slice %arg3[%dma_wait3A_384] : memref<640000xi32, #tpu.memory_space<hbm>> -> memref<40xi32, #tpu.memory_space<hbm>>
        %dma_wait3A_386 = arith.constant 0 : i32
        %dma_wait3A_387 = tpu.memref_slice %arg3[%dma_wait3A_386] : memref<640000xi32, #tpu.memory_space<hbm>> -> memref<40xi32, #tpu.memory_space<hbm>>
        tpu.wait_dma2 semaphore(%arg28 : memref<!tpu.dma_semaphore, #tpu.memory_space<semaphore_mem>>) src(%dma_wait3A_387 : memref<40xi32, #tpu.memory_space<hbm>>) dst(%arg17 : memref<40xi32, #tpu.memory_space<vmem>>)
        %dma_start3A_388 = arith.constant 0 : i32
        %dma_start3A_389 = arith.constant 0 : i32
        %dma_start3A_390 = tpu.memref_slice %arg2[%dma_start3A_388, %dma_start3A_389] : memref<10000x128xf32, #tpu.memory_space<hbm>> -> memref<10000x128xf32, #tpu.memory_space<hbm>>
        tpu.enqueue_indirect_dma source(%dma_start3A_390 : memref<10000x128xf32, #tpu.memory_space<hbm>>) target(%arg22 : memref<40x128xf32, #tpu.memory_space<vmem>>) offsets(%arg7 : memref<40xi32, #tpu.memory_space<vmem>>) semaphore(%arg33 : memref<!tpu.dma_semaphore, #tpu.memory_space<semaphore_mem>>)
      } else {
      }
      %dma_wait3A_171 = arith.constant 0 : i32
      %dma_wait3A_172 = arith.constant 0 : i32
      %dma_wait3A_173 = tpu.memref_slice %arg2[%dma_wait3A_171, %dma_wait3A_172] : memref<10000x128xf32, #tpu.memory_space<hbm>> -> memref<10000x128xf32, #tpu.memory_space<hbm>>
      tpu.wait_indirect_dma semaphore(%arg35 : memref<!tpu.dma_semaphore, #tpu.memory_space<semaphore_mem>>) src(%dma_wait3A_173 : memref<10000x128xf32, #tpu.memory_space<hbm>>) dst(%arg24 : memref<40x128xf32, #tpu.memory_space<vmem>>)
      %dma_start3A_174 = arith.constant 0 : i32
      %dma_start3A_175 = arith.constant 0 : i32
      %dma_start3A_176 = tpu.memref_slice %arg27[%dma_start3A_174, %dma_start3A_175] : memref<10000x128xf32, #tpu.memory_space<vmem_shared>> -> memref<10000x128xf32, #tpu.memory_space<vmem_shared>>
      tpu.enqueue_indirect_dma source(%arg24 : memref<40x128xf32, #tpu.memory_space<vmem>>) target(%dma_start3A_176 : memref<10000x128xf32, #tpu.memory_space<vmem_shared>>) offsets(%arg14 : memref<40xi32, #tpu.memory_space<vmem>>) semaphore(%arg40 : memref<!tpu.dma_semaphore, #tpu.memory_space<semaphore_mem>>) {add = true}
      %mul3A_177 = arith.constant 10 : i32
      %mul3A_178 = arith.muli %scan3A_91, %mul3A_177 : i32
      %add3A_179 = arith.constant 3 : i32
      %add3A_180 = arith.addi %mul3A_178, %add3A_179 : i32
      %ge3A_181 = arith.constant 2 : i32
      %ge3A_182 = arith.cmpi sge, %add3A_180, %ge3A_181 : i32
      %convert_element_type3A_183 = arith.extui %ge3A_182 : i1 to i32
      %cond3A_184 = arith.constant 0 : i32
      %cond3A_185 = arith.cmpi ne, %convert_element_type3A_183, %cond3A_184 : i32
      scf.if %cond3A_185 {
        %dma_wait3A_380 = arith.constant 0 : i32
        %dma_wait3A_381 = arith.constant 0 : i32
        %dma_wait3A_382 = tpu.memref_slice %arg27[%dma_wait3A_380, %dma_wait3A_381] : memref<10000x128xf32, #tpu.memory_space<vmem_shared>> -> memref<10000x128xf32, #tpu.memory_space<vmem_shared>>
        tpu.wait_indirect_dma semaphore(%arg39 : memref<!tpu.dma_semaphore, #tpu.memory_space<semaphore_mem>>) src(%arg23 : memref<40x128xf32, #tpu.memory_space<vmem>>) dst(%dma_wait3A_382 : memref<10000x128xf32, #tpu.memory_space<vmem_shared>>)
      } else {
      }
      %add3A_186 = arith.constant 4 : i32
      %add3A_187 = arith.addi %add3A_180, %add3A_186 : i32
      %lt3A_188 = arith.constant 250 : i32
      %lt3A_189 = arith.cmpi slt, %add3A_187, %lt3A_188 : i32
      %convert_element_type3A_190 = arith.extui %lt3A_189 : i1 to i32
      %cond3A_191 = arith.constant 0 : i32
      %cond3A_192 = arith.cmpi ne, %convert_element_type3A_190, %cond3A_191 : i32
      scf.if %cond3A_192 {
        %add3A_380 = arith.constant 4 : i32
        %add3A_381 = arith.addi %add3A_180, %add3A_380 : i32
        %mul3A_382 = arith.constant 40 : i32
        %mul3A_383 = arith.muli %add3A_381, %mul3A_382 : i32
        %add3A_384 = arith.addi %mul3A_2, %mul3A_383 : i32
        %dma_start3A_385 = tpu.memref_slice %arg3[%add3A_384] : memref<640000xi32, #tpu.memory_space<hbm>> -> memref<40xi32, #tpu.memory_space<hbm>>
        %dma_start3A_386 = tpu.memref_slice %arg3[%add3A_384] : memref<640000xi32, #tpu.memory_space<hbm>> -> memref<40xi32, #tpu.memory_space<hbm>>
        tpu.enqueue_dma source(%dma_start3A_386 : memref<40xi32, #tpu.memory_space<hbm>>) target(%arg9 : memref<40xi32, #tpu.memory_space<vmem>>) target_semaphore(%arg30 : memref<!tpu.dma_semaphore, #tpu.memory_space<semaphore_mem>>)
        %add3A_387 = arith.constant 320000 : i32
        %add3A_388 = arith.addi %add3A_387, %add3A_384 : i32
        %dma_start3A_389 = tpu.memref_slice %arg3[%add3A_388] : memref<640000xi32, #tpu.memory_space<hbm>> -> memref<40xi32, #tpu.memory_space<hbm>>
        %dma_start3A_390 = tpu.memref_slice %arg3[%add3A_388] : memref<640000xi32, #tpu.memory_space<hbm>> -> memref<40xi32, #tpu.memory_space<hbm>>
        tpu.enqueue_dma source(%dma_start3A_390 : memref<40xi32, #tpu.memory_space<hbm>>) target(%arg19 : memref<40xi32, #tpu.memory_space<vmem>>) target_semaphore(%arg30 : memref<!tpu.dma_semaphore, #tpu.memory_space<semaphore_mem>>)
      } else {
      }
      %add3A_193 = arith.constant 3 : i32
      %add3A_194 = arith.addi %add3A_180, %add3A_193 : i32
      %lt3A_195 = arith.constant 250 : i32
      %lt3A_196 = arith.cmpi slt, %add3A_194, %lt3A_195 : i32
      %convert_element_type3A_197 = arith.extui %lt3A_196 : i1 to i32
      %cond3A_198 = arith.constant 0 : i32
      %cond3A_199 = arith.cmpi ne, %convert_element_type3A_197, %cond3A_198 : i32
      scf.if %cond3A_199 {
        %dma_wait3A_380 = arith.constant 0 : i32
        %dma_wait3A_381 = tpu.memref_slice %arg3[%dma_wait3A_380] : memref<640000xi32, #tpu.memory_space<hbm>> -> memref<40xi32, #tpu.memory_space<hbm>>
        %dma_wait3A_382 = arith.constant 0 : i32
        %dma_wait3A_383 = tpu.memref_slice %arg3[%dma_wait3A_382] : memref<640000xi32, #tpu.memory_space<hbm>> -> memref<40xi32, #tpu.memory_space<hbm>>
        tpu.wait_dma2 semaphore(%arg29 : memref<!tpu.dma_semaphore, #tpu.memory_space<semaphore_mem>>) src(%dma_wait3A_383 : memref<40xi32, #tpu.memory_space<hbm>>) dst(%arg8 : memref<40xi32, #tpu.memory_space<vmem>>)
        %dma_wait3A_384 = arith.constant 0 : i32
        %dma_wait3A_385 = tpu.memref_slice %arg3[%dma_wait3A_384] : memref<640000xi32, #tpu.memory_space<hbm>> -> memref<40xi32, #tpu.memory_space<hbm>>
        %dma_wait3A_386 = arith.constant 0 : i32
        %dma_wait3A_387 = tpu.memref_slice %arg3[%dma_wait3A_386] : memref<640000xi32, #tpu.memory_space<hbm>> -> memref<40xi32, #tpu.memory_space<hbm>>
        tpu.wait_dma2 semaphore(%arg29 : memref<!tpu.dma_semaphore, #tpu.memory_space<semaphore_mem>>) src(%dma_wait3A_387 : memref<40xi32, #tpu.memory_space<hbm>>) dst(%arg18 : memref<40xi32, #tpu.memory_space<vmem>>)
        %dma_start3A_388 = arith.constant 0 : i32
        %dma_start3A_389 = arith.constant 0 : i32
        %dma_start3A_390 = tpu.memref_slice %arg2[%dma_start3A_388, %dma_start3A_389] : memref<10000x128xf32, #tpu.memory_space<hbm>> -> memref<10000x128xf32, #tpu.memory_space<hbm>>
        tpu.enqueue_indirect_dma source(%dma_start3A_390 : memref<10000x128xf32, #tpu.memory_space<hbm>>) target(%arg23 : memref<40x128xf32, #tpu.memory_space<vmem>>) offsets(%arg8 : memref<40xi32, #tpu.memory_space<vmem>>) semaphore(%arg34 : memref<!tpu.dma_semaphore, #tpu.memory_space<semaphore_mem>>)
      } else {
      }
      %dma_wait3A_200 = arith.constant 0 : i32
      %dma_wait3A_201 = arith.constant 0 : i32
      %dma_wait3A_202 = tpu.memref_slice %arg2[%dma_wait3A_200, %dma_wait3A_201] : memref<10000x128xf32, #tpu.memory_space<hbm>> -> memref<10000x128xf32, #tpu.memory_space<hbm>>
      tpu.wait_indirect_dma semaphore(%arg36 : memref<!tpu.dma_semaphore, #tpu.memory_space<semaphore_mem>>) src(%dma_wait3A_202 : memref<10000x128xf32, #tpu.memory_space<hbm>>) dst(%arg25 : memref<40x128xf32, #tpu.memory_space<vmem>>)
      %dma_start3A_203 = arith.constant 0 : i32
      %dma_start3A_204 = arith.constant 0 : i32
      %dma_start3A_205 = tpu.memref_slice %arg27[%dma_start3A_203, %dma_start3A_204] : memref<10000x128xf32, #tpu.memory_space<vmem_shared>> -> memref<10000x128xf32, #tpu.memory_space<vmem_shared>>
      tpu.enqueue_indirect_dma source(%arg25 : memref<40x128xf32, #tpu.memory_space<vmem>>) target(%dma_start3A_205 : memref<10000x128xf32, #tpu.memory_space<vmem_shared>>) offsets(%arg15 : memref<40xi32, #tpu.memory_space<vmem>>) semaphore(%arg41 : memref<!tpu.dma_semaphore, #tpu.memory_space<semaphore_mem>>) {add = true}
      %mul3A_206 = arith.constant 10 : i32
      %mul3A_207 = arith.muli %scan3A_91, %mul3A_206 : i32
      %add3A_208 = arith.constant 4 : i32
      %add3A_209 = arith.addi %mul3A_207, %add3A_208 : i32
      %ge3A_210 = arith.constant 2 : i32
      %ge3A_211 = arith.cmpi sge, %add3A_209, %ge3A_210 : i32
      %convert_element_type3A_212 = arith.extui %ge3A_211 : i1 to i32
      %cond3A_213 = arith.constant 0 : i32
      %cond3A_214 = arith.cmpi ne, %convert_element_type3A_212, %cond3A_213 : i32
      scf.if %cond3A_214 {
        %dma_wait3A_380 = arith.constant 0 : i32
        %dma_wait3A_381 = arith.constant 0 : i32
        %dma_wait3A_382 = tpu.memref_slice %arg27[%dma_wait3A_380, %dma_wait3A_381] : memref<10000x128xf32, #tpu.memory_space<vmem_shared>> -> memref<10000x128xf32, #tpu.memory_space<vmem_shared>>
        tpu.wait_indirect_dma semaphore(%arg40 : memref<!tpu.dma_semaphore, #tpu.memory_space<semaphore_mem>>) src(%arg24 : memref<40x128xf32, #tpu.memory_space<vmem>>) dst(%dma_wait3A_382 : memref<10000x128xf32, #tpu.memory_space<vmem_shared>>)
      } else {
      }
      %add3A_215 = arith.constant 4 : i32
      %add3A_216 = arith.addi %add3A_209, %add3A_215 : i32
      %lt3A_217 = arith.constant 250 : i32
      %lt3A_218 = arith.cmpi slt, %add3A_216, %lt3A_217 : i32
      %convert_element_type3A_219 = arith.extui %lt3A_218 : i1 to i32
      %cond3A_220 = arith.constant 0 : i32
      %cond3A_221 = arith.cmpi ne, %convert_element_type3A_219, %cond3A_220 : i32
      scf.if %cond3A_221 {
        %add3A_380 = arith.constant 4 : i32
        %add3A_381 = arith.addi %add3A_209, %add3A_380 : i32
        %mul3A_382 = arith.constant 40 : i32
        %mul3A_383 = arith.muli %add3A_381, %mul3A_382 : i32
        %add3A_384 = arith.addi %mul3A_2, %mul3A_383 : i32
        %dma_start3A_385 = tpu.memref_slice %arg3[%add3A_384] : memref<640000xi32, #tpu.memory_space<hbm>> -> memref<40xi32, #tpu.memory_space<hbm>>
        %dma_start3A_386 = tpu.memref_slice %arg3[%add3A_384] : memref<640000xi32, #tpu.memory_space<hbm>> -> memref<40xi32, #tpu.memory_space<hbm>>
        tpu.enqueue_dma source(%dma_start3A_386 : memref<40xi32, #tpu.memory_space<hbm>>) target(%arg10 : memref<40xi32, #tpu.memory_space<vmem>>) target_semaphore(%arg31 : memref<!tpu.dma_semaphore, #tpu.memory_space<semaphore_mem>>)
        %add3A_387 = arith.constant 320000 : i32
        %add3A_388 = arith.addi %add3A_387, %add3A_384 : i32
        %dma_start3A_389 = tpu.memref_slice %arg3[%add3A_388] : memref<640000xi32, #tpu.memory_space<hbm>> -> memref<40xi32, #tpu.memory_space<hbm>>
        %dma_start3A_390 = tpu.memref_slice %arg3[%add3A_388] : memref<640000xi32, #tpu.memory_space<hbm>> -> memref<40xi32, #tpu.memory_space<hbm>>
        tpu.enqueue_dma source(%dma_start3A_390 : memref<40xi32, #tpu.memory_space<hbm>>) target(%arg20 : memref<40xi32, #tpu.memory_space<vmem>>) target_semaphore(%arg31 : memref<!tpu.dma_semaphore, #tpu.memory_space<semaphore_mem>>)
      } else {
      }
      %add3A_222 = arith.constant 3 : i32
      %add3A_223 = arith.addi %add3A_209, %add3A_222 : i32
      %lt3A_224 = arith.constant 250 : i32
      %lt3A_225 = arith.cmpi slt, %add3A_223, %lt3A_224 : i32
      %convert_element_type3A_226 = arith.extui %lt3A_225 : i1 to i32
      %cond3A_227 = arith.constant 0 : i32
      %cond3A_228 = arith.cmpi ne, %convert_element_type3A_226, %cond3A_227 : i32
      scf.if %cond3A_228 {
        %dma_wait3A_380 = arith.constant 0 : i32
        %dma_wait3A_381 = tpu.memref_slice %arg3[%dma_wait3A_380] : memref<640000xi32, #tpu.memory_space<hbm>> -> memref<40xi32, #tpu.memory_space<hbm>>
        %dma_wait3A_382 = arith.constant 0 : i32
        %dma_wait3A_383 = tpu.memref_slice %arg3[%dma_wait3A_382] : memref<640000xi32, #tpu.memory_space<hbm>> -> memref<40xi32, #tpu.memory_space<hbm>>
        tpu.wait_dma2 semaphore(%arg30 : memref<!tpu.dma_semaphore, #tpu.memory_space<semaphore_mem>>) src(%dma_wait3A_383 : memref<40xi32, #tpu.memory_space<hbm>>) dst(%arg9 : memref<40xi32, #tpu.memory_space<vmem>>)
        %dma_wait3A_384 = arith.constant 0 : i32
        %dma_wait3A_385 = tpu.memref_slice %arg3[%dma_wait3A_384] : memref<640000xi32, #tpu.memory_space<hbm>> -> memref<40xi32, #tpu.memory_space<hbm>>
        %dma_wait3A_386 = arith.constant 0 : i32
        %dma_wait3A_387 = tpu.memref_slice %arg3[%dma_wait3A_386] : memref<640000xi32, #tpu.memory_space<hbm>> -> memref<40xi32, #tpu.memory_space<hbm>>
        tpu.wait_dma2 semaphore(%arg30 : memref<!tpu.dma_semaphore, #tpu.memory_space<semaphore_mem>>) src(%dma_wait3A_387 : memref<40xi32, #tpu.memory_space<hbm>>) dst(%arg19 : memref<40xi32, #tpu.memory_space<vmem>>)
        %dma_start3A_388 = arith.constant 0 : i32
        %dma_start3A_389 = arith.constant 0 : i32
        %dma_start3A_390 = tpu.memref_slice %arg2[%dma_start3A_388, %dma_start3A_389] : memref<10000x128xf32, #tpu.memory_space<hbm>> -> memref<10000x128xf32, #tpu.memory_space<hbm>>
        tpu.enqueue_indirect_dma source(%dma_start3A_390 : memref<10000x128xf32, #tpu.memory_space<hbm>>) target(%arg24 : memref<40x128xf32, #tpu.memory_space<vmem>>) offsets(%arg9 : memref<40xi32, #tpu.memory_space<vmem>>) semaphore(%arg35 : memref<!tpu.dma_semaphore, #tpu.memory_space<semaphore_mem>>)
      } else {
      }
      %dma_wait3A_229 = arith.constant 0 : i32
      %dma_wait3A_230 = arith.constant 0 : i32
      %dma_wait3A_231 = tpu.memref_slice %arg2[%dma_wait3A_229, %dma_wait3A_230] : memref<10000x128xf32, #tpu.memory_space<hbm>> -> memref<10000x128xf32, #tpu.memory_space<hbm>>
      tpu.wait_indirect_dma semaphore(%arg37 : memref<!tpu.dma_semaphore, #tpu.memory_space<semaphore_mem>>) src(%dma_wait3A_231 : memref<10000x128xf32, #tpu.memory_space<hbm>>) dst(%arg26 : memref<40x128xf32, #tpu.memory_space<vmem>>)
      %dma_start3A_232 = arith.constant 0 : i32
      %dma_start3A_233 = arith.constant 0 : i32
      %dma_start3A_234 = tpu.memref_slice %arg27[%dma_start3A_232, %dma_start3A_233] : memref<10000x128xf32, #tpu.memory_space<vmem_shared>> -> memref<10000x128xf32, #tpu.memory_space<vmem_shared>>
      tpu.enqueue_indirect_dma source(%arg26 : memref<40x128xf32, #tpu.memory_space<vmem>>) target(%dma_start3A_234 : memref<10000x128xf32, #tpu.memory_space<vmem_shared>>) offsets(%arg16 : memref<40xi32, #tpu.memory_space<vmem>>) semaphore(%arg42 : memref<!tpu.dma_semaphore, #tpu.memory_space<semaphore_mem>>) {add = true}
      %mul3A_235 = arith.constant 10 : i32
      %mul3A_236 = arith.muli %scan3A_91, %mul3A_235 : i32
      %add3A_237 = arith.constant 5 : i32
      %add3A_238 = arith.addi %mul3A_236, %add3A_237 : i32
      %ge3A_239 = arith.constant 2 : i32
      %ge3A_240 = arith.cmpi sge, %add3A_238, %ge3A_239 : i32
      %convert_element_type3A_241 = arith.extui %ge3A_240 : i1 to i32
      %cond3A_242 = arith.constant 0 : i32
      %cond3A_243 = arith.cmpi ne, %convert_element_type3A_241, %cond3A_242 : i32
      scf.if %cond3A_243 {
        %dma_wait3A_380 = arith.constant 0 : i32
        %dma_wait3A_381 = arith.constant 0 : i32
        %dma_wait3A_382 = tpu.memref_slice %arg27[%dma_wait3A_380, %dma_wait3A_381] : memref<10000x128xf32, #tpu.memory_space<vmem_shared>> -> memref<10000x128xf32, #tpu.memory_space<vmem_shared>>
        tpu.wait_indirect_dma semaphore(%arg41 : memref<!tpu.dma_semaphore, #tpu.memory_space<semaphore_mem>>) src(%arg25 : memref<40x128xf32, #tpu.memory_space<vmem>>) dst(%dma_wait3A_382 : memref<10000x128xf32, #tpu.memory_space<vmem_shared>>)
      } else {
      }
      %add3A_244 = arith.constant 4 : i32
      %add3A_245 = arith.addi %add3A_238, %add3A_244 : i32
      %lt3A_246 = arith.constant 250 : i32
      %lt3A_247 = arith.cmpi slt, %add3A_245, %lt3A_246 : i32
      %convert_element_type3A_248 = arith.extui %lt3A_247 : i1 to i32
      %cond3A_249 = arith.constant 0 : i32
      %cond3A_250 = arith.cmpi ne, %convert_element_type3A_248, %cond3A_249 : i32
      scf.if %cond3A_250 {
        %add3A_380 = arith.constant 4 : i32
        %add3A_381 = arith.addi %add3A_238, %add3A_380 : i32
        %mul3A_382 = arith.constant 40 : i32
        %mul3A_383 = arith.muli %add3A_381, %mul3A_382 : i32
        %add3A_384 = arith.addi %mul3A_2, %mul3A_383 : i32
        %dma_start3A_385 = tpu.memref_slice %arg3[%add3A_384] : memref<640000xi32, #tpu.memory_space<hbm>> -> memref<40xi32, #tpu.memory_space<hbm>>
        %dma_start3A_386 = tpu.memref_slice %arg3[%add3A_384] : memref<640000xi32, #tpu.memory_space<hbm>> -> memref<40xi32, #tpu.memory_space<hbm>>
        tpu.enqueue_dma source(%dma_start3A_386 : memref<40xi32, #tpu.memory_space<hbm>>) target(%arg11 : memref<40xi32, #tpu.memory_space<vmem>>) target_semaphore(%arg32 : memref<!tpu.dma_semaphore, #tpu.memory_space<semaphore_mem>>)
        %add3A_387 = arith.constant 320000 : i32
        %add3A_388 = arith.addi %add3A_387, %add3A_384 : i32
        %dma_start3A_389 = tpu.memref_slice %arg3[%add3A_388] : memref<640000xi32, #tpu.memory_space<hbm>> -> memref<40xi32, #tpu.memory_space<hbm>>
        %dma_start3A_390 = tpu.memref_slice %arg3[%add3A_388] : memref<640000xi32, #tpu.memory_space<hbm>> -> memref<40xi32, #tpu.memory_space<hbm>>
        tpu.enqueue_dma source(%dma_start3A_390 : memref<40xi32, #tpu.memory_space<hbm>>) target(%arg21 : memref<40xi32, #tpu.memory_space<vmem>>) target_semaphore(%arg32 : memref<!tpu.dma_semaphore, #tpu.memory_space<semaphore_mem>>)
      } else {
      }
      %add3A_251 = arith.constant 3 : i32
      %add3A_252 = arith.addi %add3A_238, %add3A_251 : i32
      %lt3A_253 = arith.constant 250 : i32
      %lt3A_254 = arith.cmpi slt, %add3A_252, %lt3A_253 : i32
      %convert_element_type3A_255 = arith.extui %lt3A_254 : i1 to i32
      %cond3A_256 = arith.constant 0 : i32
      %cond3A_257 = arith.cmpi ne, %convert_element_type3A_255, %cond3A_256 : i32
      scf.if %cond3A_257 {
        %dma_wait3A_380 = arith.constant 0 : i32
        %dma_wait3A_381 = tpu.memref_slice %arg3[%dma_wait3A_380] : memref<640000xi32, #tpu.memory_space<hbm>> -> memref<40xi32, #tpu.memory_space<hbm>>
        %dma_wait3A_382 = arith.constant 0 : i32
        %dma_wait3A_383 = tpu.memref_slice %arg3[%dma_wait3A_382] : memref<640000xi32, #tpu.memory_space<hbm>> -> memref<40xi32, #tpu.memory_space<hbm>>
        tpu.wait_dma2 semaphore(%arg31 : memref<!tpu.dma_semaphore, #tpu.memory_space<semaphore_mem>>) src(%dma_wait3A_383 : memref<40xi32, #tpu.memory_space<hbm>>) dst(%arg10 : memref<40xi32, #tpu.memory_space<vmem>>)
        %dma_wait3A_384 = arith.constant 0 : i32
        %dma_wait3A_385 = tpu.memref_slice %arg3[%dma_wait3A_384] : memref<640000xi32, #tpu.memory_space<hbm>> -> memref<40xi32, #tpu.memory_space<hbm>>
        %dma_wait3A_386 = arith.constant 0 : i32
        %dma_wait3A_387 = tpu.memref_slice %arg3[%dma_wait3A_386] : memref<640000xi32, #tpu.memory_space<hbm>> -> memref<40xi32, #tpu.memory_space<hbm>>
        tpu.wait_dma2 semaphore(%arg31 : memref<!tpu.dma_semaphore, #tpu.memory_space<semaphore_mem>>) src(%dma_wait3A_387 : memref<40xi32, #tpu.memory_space<hbm>>) dst(%arg20 : memref<40xi32, #tpu.memory_space<vmem>>)
        %dma_start3A_388 = arith.constant 0 : i32
        %dma_start3A_389 = arith.constant 0 : i32
        %dma_start3A_390 = tpu.memref_slice %arg2[%dma_start3A_388, %dma_start3A_389] : memref<10000x128xf32, #tpu.memory_space<hbm>> -> memref<10000x128xf32, #tpu.memory_space<hbm>>
        tpu.enqueue_indirect_dma source(%dma_start3A_390 : memref<10000x128xf32, #tpu.memory_space<hbm>>) target(%arg25 : memref<40x128xf32, #tpu.memory_space<vmem>>) offsets(%arg10 : memref<40xi32, #tpu.memory_space<vmem>>) semaphore(%arg36 : memref<!tpu.dma_semaphore, #tpu.memory_space<semaphore_mem>>)
      } else {
      }
      %dma_wait3A_258 = arith.constant 0 : i32
      %dma_wait3A_259 = arith.constant 0 : i32
      %dma_wait3A_260 = tpu.memref_slice %arg2[%dma_wait3A_258, %dma_wait3A_259] : memref<10000x128xf32, #tpu.memory_space<hbm>> -> memref<10000x128xf32, #tpu.memory_space<hbm>>
      tpu.wait_indirect_dma semaphore(%arg33 : memref<!tpu.dma_semaphore, #tpu.memory_space<semaphore_mem>>) src(%dma_wait3A_260 : memref<10000x128xf32, #tpu.memory_space<hbm>>) dst(%arg22 : memref<40x128xf32, #tpu.memory_space<vmem>>)
      %dma_start3A_261 = arith.constant 0 : i32
      %dma_start3A_262 = arith.constant 0 : i32
      %dma_start3A_263 = tpu.memref_slice %arg27[%dma_start3A_261, %dma_start3A_262] : memref<10000x128xf32, #tpu.memory_space<vmem_shared>> -> memref<10000x128xf32, #tpu.memory_space<vmem_shared>>
      tpu.enqueue_indirect_dma source(%arg22 : memref<40x128xf32, #tpu.memory_space<vmem>>) target(%dma_start3A_263 : memref<10000x128xf32, #tpu.memory_space<vmem_shared>>) offsets(%arg17 : memref<40xi32, #tpu.memory_space<vmem>>) semaphore(%arg38 : memref<!tpu.dma_semaphore, #tpu.memory_space<semaphore_mem>>) {add = true}
      %mul3A_264 = arith.constant 10 : i32
      %mul3A_265 = arith.muli %scan3A_91, %mul3A_264 : i32
      %add3A_266 = arith.constant 6 : i32
      %add3A_267 = arith.addi %mul3A_265, %add3A_266 : i32
      %ge3A_268 = arith.constant 2 : i32
      %ge3A_269 = arith.cmpi sge, %add3A_267, %ge3A_268 : i32
      %convert_element_type3A_270 = arith.extui %ge3A_269 : i1 to i32
      %cond3A_271 = arith.constant 0 : i32
      %cond3A_272 = arith.cmpi ne, %convert_element_type3A_270, %cond3A_271 : i32
      scf.if %cond3A_272 {
        %dma_wait3A_380 = arith.constant 0 : i32
        %dma_wait3A_381 = arith.constant 0 : i32
        %dma_wait3A_382 = tpu.memref_slice %arg27[%dma_wait3A_380, %dma_wait3A_381] : memref<10000x128xf32, #tpu.memory_space<vmem_shared>> -> memref<10000x128xf32, #tpu.memory_space<vmem_shared>>
        tpu.wait_indirect_dma semaphore(%arg42 : memref<!tpu.dma_semaphore, #tpu.memory_space<semaphore_mem>>) src(%arg26 : memref<40x128xf32, #tpu.memory_space<vmem>>) dst(%dma_wait3A_382 : memref<10000x128xf32, #tpu.memory_space<vmem_shared>>)
      } else {
      }
      %add3A_273 = arith.constant 4 : i32
      %add3A_274 = arith.addi %add3A_267, %add3A_273 : i32
      %lt3A_275 = arith.constant 250 : i32
      %lt3A_276 = arith.cmpi slt, %add3A_274, %lt3A_275 : i32
      %convert_element_type3A_277 = arith.extui %lt3A_276 : i1 to i32
      %cond3A_278 = arith.constant 0 : i32
      %cond3A_279 = arith.cmpi ne, %convert_element_type3A_277, %cond3A_278 : i32
      scf.if %cond3A_279 {
        %add3A_380 = arith.constant 4 : i32
        %add3A_381 = arith.addi %add3A_267, %add3A_380 : i32
        %mul3A_382 = arith.constant 40 : i32
        %mul3A_383 = arith.muli %add3A_381, %mul3A_382 : i32
        %add3A_384 = arith.addi %mul3A_2, %mul3A_383 : i32
        %dma_start3A_385 = tpu.memref_slice %arg3[%add3A_384] : memref<640000xi32, #tpu.memory_space<hbm>> -> memref<40xi32, #tpu.memory_space<hbm>>
        %dma_start3A_386 = tpu.memref_slice %arg3[%add3A_384] : memref<640000xi32, #tpu.memory_space<hbm>> -> memref<40xi32, #tpu.memory_space<hbm>>
        tpu.enqueue_dma source(%dma_start3A_386 : memref<40xi32, #tpu.memory_space<hbm>>) target(%arg7 : memref<40xi32, #tpu.memory_space<vmem>>) target_semaphore(%arg28 : memref<!tpu.dma_semaphore, #tpu.memory_space<semaphore_mem>>)
        %add3A_387 = arith.constant 320000 : i32
        %add3A_388 = arith.addi %add3A_387, %add3A_384 : i32
        %dma_start3A_389 = tpu.memref_slice %arg3[%add3A_388] : memref<640000xi32, #tpu.memory_space<hbm>> -> memref<40xi32, #tpu.memory_space<hbm>>
        %dma_start3A_390 = tpu.memref_slice %arg3[%add3A_388] : memref<640000xi32, #tpu.memory_space<hbm>> -> memref<40xi32, #tpu.memory_space<hbm>>
        tpu.enqueue_dma source(%dma_start3A_390 : memref<40xi32, #tpu.memory_space<hbm>>) target(%arg12 : memref<40xi32, #tpu.memory_space<vmem>>) target_semaphore(%arg28 : memref<!tpu.dma_semaphore, #tpu.memory_space<semaphore_mem>>)
      } else {
      }
      %add3A_280 = arith.constant 3 : i32
      %add3A_281 = arith.addi %add3A_267, %add3A_280 : i32
      %lt3A_282 = arith.constant 250 : i32
      %lt3A_283 = arith.cmpi slt, %add3A_281, %lt3A_282 : i32
      %convert_element_type3A_284 = arith.extui %lt3A_283 : i1 to i32
      %cond3A_285 = arith.constant 0 : i32
      %cond3A_286 = arith.cmpi ne, %convert_element_type3A_284, %cond3A_285 : i32
      scf.if %cond3A_286 {
        %dma_wait3A_380 = arith.constant 0 : i32
        %dma_wait3A_381 = tpu.memref_slice %arg3[%dma_wait3A_380] : memref<640000xi32, #tpu.memory_space<hbm>> -> memref<40xi32, #tpu.memory_space<hbm>>
        %dma_wait3A_382 = arith.constant 0 : i32
        %dma_wait3A_383 = tpu.memref_slice %arg3[%dma_wait3A_382] : memref<640000xi32, #tpu.memory_space<hbm>> -> memref<40xi32, #tpu.memory_space<hbm>>
        tpu.wait_dma2 semaphore(%arg32 : memref<!tpu.dma_semaphore, #tpu.memory_space<semaphore_mem>>) src(%dma_wait3A_383 : memref<40xi32, #tpu.memory_space<hbm>>) dst(%arg11 : memref<40xi32, #tpu.memory_space<vmem>>)
        %dma_wait3A_384 = arith.constant 0 : i32
        %dma_wait3A_385 = tpu.memref_slice %arg3[%dma_wait3A_384] : memref<640000xi32, #tpu.memory_space<hbm>> -> memref<40xi32, #tpu.memory_space<hbm>>
        %dma_wait3A_386 = arith.constant 0 : i32
        %dma_wait3A_387 = tpu.memref_slice %arg3[%dma_wait3A_386] : memref<640000xi32, #tpu.memory_space<hbm>> -> memref<40xi32, #tpu.memory_space<hbm>>
        tpu.wait_dma2 semaphore(%arg32 : memref<!tpu.dma_semaphore, #tpu.memory_space<semaphore_mem>>) src(%dma_wait3A_387 : memref<40xi32, #tpu.memory_space<hbm>>) dst(%arg21 : memref<40xi32, #tpu.memory_space<vmem>>)
        %dma_start3A_388 = arith.constant 0 : i32
        %dma_start3A_389 = arith.constant 0 : i32
        %dma_start3A_390 = tpu.memref_slice %arg2[%dma_start3A_388, %dma_start3A_389] : memref<10000x128xf32, #tpu.memory_space<hbm>> -> memref<10000x128xf32, #tpu.memory_space<hbm>>
        tpu.enqueue_indirect_dma source(%dma_start3A_390 : memref<10000x128xf32, #tpu.memory_space<hbm>>) target(%arg26 : memref<40x128xf32, #tpu.memory_space<vmem>>) offsets(%arg11 : memref<40xi32, #tpu.memory_space<vmem>>) semaphore(%arg37 : memref<!tpu.dma_semaphore, #tpu.memory_space<semaphore_mem>>)
      } else {
      }
      %dma_wait3A_287 = arith.constant 0 : i32
      %dma_wait3A_288 = arith.constant 0 : i32
      %dma_wait3A_289 = tpu.memref_slice %arg2[%dma_wait3A_287, %dma_wait3A_288] : memref<10000x128xf32, #tpu.memory_space<hbm>> -> memref<10000x128xf32, #tpu.memory_space<hbm>>
      tpu.wait_indirect_dma semaphore(%arg34 : memref<!tpu.dma_semaphore, #tpu.memory_space<semaphore_mem>>) src(%dma_wait3A_289 : memref<10000x128xf32, #tpu.memory_space<hbm>>) dst(%arg23 : memref<40x128xf32, #tpu.memory_space<vmem>>)
      %dma_start3A_290 = arith.constant 0 : i32
      %dma_start3A_291 = arith.constant 0 : i32
      %dma_start3A_292 = tpu.memref_slice %arg27[%dma_start3A_290, %dma_start3A_291] : memref<10000x128xf32, #tpu.memory_space<vmem_shared>> -> memref<10000x128xf32, #tpu.memory_space<vmem_shared>>
      tpu.enqueue_indirect_dma source(%arg23 : memref<40x128xf32, #tpu.memory_space<vmem>>) target(%dma_start3A_292 : memref<10000x128xf32, #tpu.memory_space<vmem_shared>>) offsets(%arg18 : memref<40xi32, #tpu.memory_space<vmem>>) semaphore(%arg39 : memref<!tpu.dma_semaphore, #tpu.memory_space<semaphore_mem>>) {add = true}
      %mul3A_293 = arith.constant 10 : i32
      %mul3A_294 = arith.muli %scan3A_91, %mul3A_293 : i32
      %add3A_295 = arith.constant 7 : i32
      %add3A_296 = arith.addi %mul3A_294, %add3A_295 : i32
      %ge3A_297 = arith.constant 2 : i32
      %ge3A_298 = arith.cmpi sge, %add3A_296, %ge3A_297 : i32
      %convert_element_type3A_299 = arith.extui %ge3A_298 : i1 to i32
      %cond3A_300 = arith.constant 0 : i32
      %cond3A_301 = arith.cmpi ne, %convert_element_type3A_299, %cond3A_300 : i32
      scf.if %cond3A_301 {
        %dma_wait3A_380 = arith.constant 0 : i32
        %dma_wait3A_381 = arith.constant 0 : i32
        %dma_wait3A_382 = tpu.memref_slice %arg27[%dma_wait3A_380, %dma_wait3A_381] : memref<10000x128xf32, #tpu.memory_space<vmem_shared>> -> memref<10000x128xf32, #tpu.memory_space<vmem_shared>>
        tpu.wait_indirect_dma semaphore(%arg38 : memref<!tpu.dma_semaphore, #tpu.memory_space<semaphore_mem>>) src(%arg22 : memref<40x128xf32, #tpu.memory_space<vmem>>) dst(%dma_wait3A_382 : memref<10000x128xf32, #tpu.memory_space<vmem_shared>>)
      } else {
      }
      %add3A_302 = arith.constant 4 : i32
      %add3A_303 = arith.addi %add3A_296, %add3A_302 : i32
      %lt3A_304 = arith.constant 250 : i32
      %lt3A_305 = arith.cmpi slt, %add3A_303, %lt3A_304 : i32
      %convert_element_type3A_306 = arith.extui %lt3A_305 : i1 to i32
      %cond3A_307 = arith.constant 0 : i32
      %cond3A_308 = arith.cmpi ne, %convert_element_type3A_306, %cond3A_307 : i32
      scf.if %cond3A_308 {
        %add3A_380 = arith.constant 4 : i32
        %add3A_381 = arith.addi %add3A_296, %add3A_380 : i32
        %mul3A_382 = arith.constant 40 : i32
        %mul3A_383 = arith.muli %add3A_381, %mul3A_382 : i32
        %add3A_384 = arith.addi %mul3A_2, %mul3A_383 : i32
        %dma_start3A_385 = tpu.memref_slice %arg3[%add3A_384] : memref<640000xi32, #tpu.memory_space<hbm>> -> memref<40xi32, #tpu.memory_space<hbm>>
        %dma_start3A_386 = tpu.memref_slice %arg3[%add3A_384] : memref<640000xi32, #tpu.memory_space<hbm>> -> memref<40xi32, #tpu.memory_space<hbm>>
        tpu.enqueue_dma source(%dma_start3A_386 : memref<40xi32, #tpu.memory_space<hbm>>) target(%arg8 : memref<40xi32, #tpu.memory_space<vmem>>) target_semaphore(%arg29 : memref<!tpu.dma_semaphore, #tpu.memory_space<semaphore_mem>>)
        %add3A_387 = arith.constant 320000 : i32
        %add3A_388 = arith.addi %add3A_387, %add3A_384 : i32
        %dma_start3A_389 = tpu.memref_slice %arg3[%add3A_388] : memref<640000xi32, #tpu.memory_space<hbm>> -> memref<40xi32, #tpu.memory_space<hbm>>
        %dma_start3A_390 = tpu.memref_slice %arg3[%add3A_388] : memref<640000xi32, #tpu.memory_space<hbm>> -> memref<40xi32, #tpu.memory_space<hbm>>
        tpu.enqueue_dma source(%dma_start3A_390 : memref<40xi32, #tpu.memory_space<hbm>>) target(%arg13 : memref<40xi32, #tpu.memory_space<vmem>>) target_semaphore(%arg29 : memref<!tpu.dma_semaphore, #tpu.memory_space<semaphore_mem>>)
      } else {
      }
      %add3A_309 = arith.constant 3 : i32
      %add3A_310 = arith.addi %add3A_296, %add3A_309 : i32
      %lt3A_311 = arith.constant 250 : i32
      %lt3A_312 = arith.cmpi slt, %add3A_310, %lt3A_311 : i32
      %convert_element_type3A_313 = arith.extui %lt3A_312 : i1 to i32
      %cond3A_314 = arith.constant 0 : i32
      %cond3A_315 = arith.cmpi ne, %convert_element_type3A_313, %cond3A_314 : i32
      scf.if %cond3A_315 {
        %dma_wait3A_380 = arith.constant 0 : i32
        %dma_wait3A_381 = tpu.memref_slice %arg3[%dma_wait3A_380] : memref<640000xi32, #tpu.memory_space<hbm>> -> memref<40xi32, #tpu.memory_space<hbm>>
        %dma_wait3A_382 = arith.constant 0 : i32
        %dma_wait3A_383 = tpu.memref_slice %arg3[%dma_wait3A_382] : memref<640000xi32, #tpu.memory_space<hbm>> -> memref<40xi32, #tpu.memory_space<hbm>>
        tpu.wait_dma2 semaphore(%arg28 : memref<!tpu.dma_semaphore, #tpu.memory_space<semaphore_mem>>) src(%dma_wait3A_383 : memref<40xi32, #tpu.memory_space<hbm>>) dst(%arg7 : memref<40xi32, #tpu.memory_space<vmem>>)
        %dma_wait3A_384 = arith.constant 0 : i32
        %dma_wait3A_385 = tpu.memref_slice %arg3[%dma_wait3A_384] : memref<640000xi32, #tpu.memory_space<hbm>> -> memref<40xi32, #tpu.memory_space<hbm>>
        %dma_wait3A_386 = arith.constant 0 : i32
        %dma_wait3A_387 = tpu.memref_slice %arg3[%dma_wait3A_386] : memref<640000xi32, #tpu.memory_space<hbm>> -> memref<40xi32, #tpu.memory_space<hbm>>
        tpu.wait_dma2 semaphore(%arg28 : memref<!tpu.dma_semaphore, #tpu.memory_space<semaphore_mem>>) src(%dma_wait3A_387 : memref<40xi32, #tpu.memory_space<hbm>>) dst(%arg12 : memref<40xi32, #tpu.memory_space<vmem>>)
        %dma_start3A_388 = arith.constant 0 : i32
        %dma_start3A_389 = arith.constant 0 : i32
        %dma_start3A_390 = tpu.memref_slice %arg2[%dma_start3A_388, %dma_start3A_389] : memref<10000x128xf32, #tpu.memory_space<hbm>> -> memref<10000x128xf32, #tpu.memory_space<hbm>>
        tpu.enqueue_indirect_dma source(%dma_start3A_390 : memref<10000x128xf32, #tpu.memory_space<hbm>>) target(%arg22 : memref<40x128xf32, #tpu.memory_space<vmem>>) offsets(%arg7 : memref<40xi32, #tpu.memory_space<vmem>>) semaphore(%arg33 : memref<!tpu.dma_semaphore, #tpu.memory_space<semaphore_mem>>)
      } else {
      }
      %dma_wait3A_316 = arith.constant 0 : i32
      %dma_wait3A_317 = arith.constant 0 : i32
      %dma_wait3A_318 = tpu.memref_slice %arg2[%dma_wait3A_316, %dma_wait3A_317] : memref<10000x128xf32, #tpu.memory_space<hbm>> -> memref<10000x128xf32, #tpu.memory_space<hbm>>
      tpu.wait_indirect_dma semaphore(%arg35 : memref<!tpu.dma_semaphore, #tpu.memory_space<semaphore_mem>>) src(%dma_wait3A_318 : memref<10000x128xf32, #tpu.memory_space<hbm>>) dst(%arg24 : memref<40x128xf32, #tpu.memory_space<vmem>>)
      %dma_start3A_319 = arith.constant 0 : i32
      %dma_start3A_320 = arith.constant 0 : i32
      %dma_start3A_321 = tpu.memref_slice %arg27[%dma_start3A_319, %dma_start3A_320] : memref<10000x128xf32, #tpu.memory_space<vmem_shared>> -> memref<10000x128xf32, #tpu.memory_space<vmem_shared>>
      tpu.enqueue_indirect_dma source(%arg24 : memref<40x128xf32, #tpu.memory_space<vmem>>) target(%dma_start3A_321 : memref<10000x128xf32, #tpu.memory_space<vmem_shared>>) offsets(%arg19 : memref<40xi32, #tpu.memory_space<vmem>>) semaphore(%arg40 : memref<!tpu.dma_semaphore, #tpu.memory_space<semaphore_mem>>) {add = true}
      %mul3A_322 = arith.constant 10 : i32
      %mul3A_323 = arith.muli %scan3A_91, %mul3A_322 : i32
      %add3A_324 = arith.constant 8 : i32
      %add3A_325 = arith.addi %mul3A_323, %add3A_324 : i32
      %ge3A_326 = arith.constant 2 : i32
      %ge3A_327 = arith.cmpi sge, %add3A_325, %ge3A_326 : i32
      %convert_element_type3A_328 = arith.extui %ge3A_327 : i1 to i32
      %cond3A_329 = arith.constant 0 : i32
      %cond3A_330 = arith.cmpi ne, %convert_element_type3A_328, %cond3A_329 : i32
      scf.if %cond3A_330 {
        %dma_wait3A_380 = arith.constant 0 : i32
        %dma_wait3A_381 = arith.constant 0 : i32
        %dma_wait3A_382 = tpu.memref_slice %arg27[%dma_wait3A_380, %dma_wait3A_381] : memref<10000x128xf32, #tpu.memory_space<vmem_shared>> -> memref<10000x128xf32, #tpu.memory_space<vmem_shared>>
        tpu.wait_indirect_dma semaphore(%arg39 : memref<!tpu.dma_semaphore, #tpu.memory_space<semaphore_mem>>) src(%arg23 : memref<40x128xf32, #tpu.memory_space<vmem>>) dst(%dma_wait3A_382 : memref<10000x128xf32, #tpu.memory_space<vmem_shared>>)
      } else {
      }
      %add3A_331 = arith.constant 4 : i32
      %add3A_332 = arith.addi %add3A_325, %add3A_331 : i32
      %lt3A_333 = arith.constant 250 : i32
      %lt3A_334 = arith.cmpi slt, %add3A_332, %lt3A_333 : i32
      %convert_element_type3A_335 = arith.extui %lt3A_334 : i1 to i32
      %cond3A_336 = arith.constant 0 : i32
      %cond3A_337 = arith.cmpi ne, %convert_element_type3A_335, %cond3A_336 : i32
      scf.if %cond3A_337 {
        %add3A_380 = arith.constant 4 : i32
        %add3A_381 = arith.addi %add3A_325, %add3A_380 : i32
        %mul3A_382 = arith.constant 40 : i32
        %mul3A_383 = arith.muli %add3A_381, %mul3A_382 : i32
        %add3A_384 = arith.addi %mul3A_2, %mul3A_383 : i32
        %dma_start3A_385 = tpu.memref_slice %arg3[%add3A_384] : memref<640000xi32, #tpu.memory_space<hbm>> -> memref<40xi32, #tpu.memory_space<hbm>>
        %dma_start3A_386 = tpu.memref_slice %arg3[%add3A_384] : memref<640000xi32, #tpu.memory_space<hbm>> -> memref<40xi32, #tpu.memory_space<hbm>>
        tpu.enqueue_dma source(%dma_start3A_386 : memref<40xi32, #tpu.memory_space<hbm>>) target(%arg9 : memref<40xi32, #tpu.memory_space<vmem>>) target_semaphore(%arg30 : memref<!tpu.dma_semaphore, #tpu.memory_space<semaphore_mem>>)
        %add3A_387 = arith.constant 320000 : i32
        %add3A_388 = arith.addi %add3A_387, %add3A_384 : i32
        %dma_start3A_389 = tpu.memref_slice %arg3[%add3A_388] : memref<640000xi32, #tpu.memory_space<hbm>> -> memref<40xi32, #tpu.memory_space<hbm>>
        %dma_start3A_390 = tpu.memref_slice %arg3[%add3A_388] : memref<640000xi32, #tpu.memory_space<hbm>> -> memref<40xi32, #tpu.memory_space<hbm>>
        tpu.enqueue_dma source(%dma_start3A_390 : memref<40xi32, #tpu.memory_space<hbm>>) target(%arg14 : memref<40xi32, #tpu.memory_space<vmem>>) target_semaphore(%arg30 : memref<!tpu.dma_semaphore, #tpu.memory_space<semaphore_mem>>)
      } else {
      }
      %add3A_338 = arith.constant 3 : i32
      %add3A_339 = arith.addi %add3A_325, %add3A_338 : i32
      %lt3A_340 = arith.constant 250 : i32
      %lt3A_341 = arith.cmpi slt, %add3A_339, %lt3A_340 : i32
      %convert_element_type3A_342 = arith.extui %lt3A_341 : i1 to i32
      %cond3A_343 = arith.constant 0 : i32
      %cond3A_344 = arith.cmpi ne, %convert_element_type3A_342, %cond3A_343 : i32
      scf.if %cond3A_344 {
        %dma_wait3A_380 = arith.constant 0 : i32
        %dma_wait3A_381 = tpu.memref_slice %arg3[%dma_wait3A_380] : memref<640000xi32, #tpu.memory_space<hbm>> -> memref<40xi32, #tpu.memory_space<hbm>>
        %dma_wait3A_382 = arith.constant 0 : i32
        %dma_wait3A_383 = tpu.memref_slice %arg3[%dma_wait3A_382] : memref<640000xi32, #tpu.memory_space<hbm>> -> memref<40xi32, #tpu.memory_space<hbm>>
        tpu.wait_dma2 semaphore(%arg29 : memref<!tpu.dma_semaphore, #tpu.memory_space<semaphore_mem>>) src(%dma_wait3A_383 : memref<40xi32, #tpu.memory_space<hbm>>) dst(%arg8 : memref<40xi32, #tpu.memory_space<vmem>>)
        %dma_wait3A_384 = arith.constant 0 : i32
        %dma_wait3A_385 = tpu.memref_slice %arg3[%dma_wait3A_384] : memref<640000xi32, #tpu.memory_space<hbm>> -> memref<40xi32, #tpu.memory_space<hbm>>
        %dma_wait3A_386 = arith.constant 0 : i32
        %dma_wait3A_387 = tpu.memref_slice %arg3[%dma_wait3A_386] : memref<640000xi32, #tpu.memory_space<hbm>> -> memref<40xi32, #tpu.memory_space<hbm>>
        tpu.wait_dma2 semaphore(%arg29 : memref<!tpu.dma_semaphore, #tpu.memory_space<semaphore_mem>>) src(%dma_wait3A_387 : memref<40xi32, #tpu.memory_space<hbm>>) dst(%arg13 : memref<40xi32, #tpu.memory_space<vmem>>)
        %dma_start3A_388 = arith.constant 0 : i32
        %dma_start3A_389 = arith.constant 0 : i32
        %dma_start3A_390 = tpu.memref_slice %arg2[%dma_start3A_388, %dma_start3A_389] : memref<10000x128xf32, #tpu.memory_space<hbm>> -> memref<10000x128xf32, #tpu.memory_space<hbm>>
        tpu.enqueue_indirect_dma source(%dma_start3A_390 : memref<10000x128xf32, #tpu.memory_space<hbm>>) target(%arg23 : memref<40x128xf32, #tpu.memory_space<vmem>>) offsets(%arg8 : memref<40xi32, #tpu.memory_space<vmem>>) semaphore(%arg34 : memref<!tpu.dma_semaphore, #tpu.memory_space<semaphore_mem>>)
      } else {
      }
      %dma_wait3A_345 = arith.constant 0 : i32
      %dma_wait3A_346 = arith.constant 0 : i32
      %dma_wait3A_347 = tpu.memref_slice %arg2[%dma_wait3A_345, %dma_wait3A_346] : memref<10000x128xf32, #tpu.memory_space<hbm>> -> memref<10000x128xf32, #tpu.memory_space<hbm>>
      tpu.wait_indirect_dma semaphore(%arg36 : memref<!tpu.dma_semaphore, #tpu.memory_space<semaphore_mem>>) src(%dma_wait3A_347 : memref<10000x128xf32, #tpu.memory_space<hbm>>) dst(%arg25 : memref<40x128xf32, #tpu.memory_space<vmem>>)
      %dma_start3A_348 = arith.constant 0 : i32
      %dma_start3A_349 = arith.constant 0 : i32
      %dma_start3A_350 = tpu.memref_slice %arg27[%dma_start3A_348, %dma_start3A_349] : memref<10000x128xf32, #tpu.memory_space<vmem_shared>> -> memref<10000x128xf32, #tpu.memory_space<vmem_shared>>
      tpu.enqueue_indirect_dma source(%arg25 : memref<40x128xf32, #tpu.memory_space<vmem>>) target(%dma_start3A_350 : memref<10000x128xf32, #tpu.memory_space<vmem_shared>>) offsets(%arg20 : memref<40xi32, #tpu.memory_space<vmem>>) semaphore(%arg41 : memref<!tpu.dma_semaphore, #tpu.memory_space<semaphore_mem>>) {add = true}
      %mul3A_351 = arith.constant 10 : i32
      %mul3A_352 = arith.muli %scan3A_91, %mul3A_351 : i32
      %add3A_353 = arith.constant 9 : i32
      %add3A_354 = arith.addi %mul3A_352, %add3A_353 : i32
      %ge3A_355 = arith.constant 2 : i32
      %ge3A_356 = arith.cmpi sge, %add3A_354, %ge3A_355 : i32
      %convert_element_type3A_357 = arith.extui %ge3A_356 : i1 to i32
      %cond3A_358 = arith.constant 0 : i32
      %cond3A_359 = arith.cmpi ne, %convert_element_type3A_357, %cond3A_358 : i32
      scf.if %cond3A_359 {
        %dma_wait3A_380 = arith.constant 0 : i32
        %dma_wait3A_381 = arith.constant 0 : i32
        %dma_wait3A_382 = tpu.memref_slice %arg27[%dma_wait3A_380, %dma_wait3A_381] : memref<10000x128xf32, #tpu.memory_space<vmem_shared>> -> memref<10000x128xf32, #tpu.memory_space<vmem_shared>>
        tpu.wait_indirect_dma semaphore(%arg40 : memref<!tpu.dma_semaphore, #tpu.memory_space<semaphore_mem>>) src(%arg24 : memref<40x128xf32, #tpu.memory_space<vmem>>) dst(%dma_wait3A_382 : memref<10000x128xf32, #tpu.memory_space<vmem_shared>>)
      } else {
      }
      %add3A_360 = arith.constant 4 : i32
      %add3A_361 = arith.addi %add3A_354, %add3A_360 : i32
      %lt3A_362 = arith.constant 250 : i32
      %lt3A_363 = arith.cmpi slt, %add3A_361, %lt3A_362 : i32
      %convert_element_type3A_364 = arith.extui %lt3A_363 : i1 to i32
      %cond3A_365 = arith.constant 0 : i32
      %cond3A_366 = arith.cmpi ne, %convert_element_type3A_364, %cond3A_365 : i32
      scf.if %cond3A_366 {
        %add3A_380 = arith.constant 4 : i32
        %add3A_381 = arith.addi %add3A_354, %add3A_380 : i32
        %mul3A_382 = arith.constant 40 : i32
        %mul3A_383 = arith.muli %add3A_381, %mul3A_382 : i32
        %add3A_384 = arith.addi %mul3A_2, %mul3A_383 : i32
        %dma_start3A_385 = tpu.memref_slice %arg3[%add3A_384] : memref<640000xi32, #tpu.memory_space<hbm>> -> memref<40xi32, #tpu.memory_space<hbm>>
        %dma_start3A_386 = tpu.memref_slice %arg3[%add3A_384] : memref<640000xi32, #tpu.memory_space<hbm>> -> memref<40xi32, #tpu.memory_space<hbm>>
        tpu.enqueue_dma source(%dma_start3A_386 : memref<40xi32, #tpu.memory_space<hbm>>) target(%arg10 : memref<40xi32, #tpu.memory_space<vmem>>) target_semaphore(%arg31 : memref<!tpu.dma_semaphore, #tpu.memory_space<semaphore_mem>>)
        %add3A_387 = arith.constant 320000 : i32
        %add3A_388 = arith.addi %add3A_387, %add3A_384 : i32
        %dma_start3A_389 = tpu.memref_slice %arg3[%add3A_388] : memref<640000xi32, #tpu.memory_space<hbm>> -> memref<40xi32, #tpu.memory_space<hbm>>
        %dma_start3A_390 = tpu.memref_slice %arg3[%add3A_388] : memref<640000xi32, #tpu.memory_space<hbm>> -> memref<40xi32, #tpu.memory_space<hbm>>
        tpu.enqueue_dma source(%dma_start3A_390 : memref<40xi32, #tpu.memory_space<hbm>>) target(%arg15 : memref<40xi32, #tpu.memory_space<vmem>>) target_semaphore(%arg31 : memref<!tpu.dma_semaphore, #tpu.memory_space<semaphore_mem>>)
      } else {
      }
      %add3A_367 = arith.constant 3 : i32
      %add3A_368 = arith.addi %add3A_354, %add3A_367 : i32
      %lt3A_369 = arith.constant 250 : i32
      %lt3A_370 = arith.cmpi slt, %add3A_368, %lt3A_369 : i32
      %convert_element_type3A_371 = arith.extui %lt3A_370 : i1 to i32
      %cond3A_372 = arith.constant 0 : i32
      %cond3A_373 = arith.cmpi ne, %convert_element_type3A_371, %cond3A_372 : i32
      scf.if %cond3A_373 {
        %dma_wait3A_380 = arith.constant 0 : i32
        %dma_wait3A_381 = tpu.memref_slice %arg3[%dma_wait3A_380] : memref<640000xi32, #tpu.memory_space<hbm>> -> memref<40xi32, #tpu.memory_space<hbm>>
        %dma_wait3A_382 = arith.constant 0 : i32
        %dma_wait3A_383 = tpu.memref_slice %arg3[%dma_wait3A_382] : memref<640000xi32, #tpu.memory_space<hbm>> -> memref<40xi32, #tpu.memory_space<hbm>>
        tpu.wait_dma2 semaphore(%arg30 : memref<!tpu.dma_semaphore, #tpu.memory_space<semaphore_mem>>) src(%dma_wait3A_383 : memref<40xi32, #tpu.memory_space<hbm>>) dst(%arg9 : memref<40xi32, #tpu.memory_space<vmem>>)
        %dma_wait3A_384 = arith.constant 0 : i32
        %dma_wait3A_385 = tpu.memref_slice %arg3[%dma_wait3A_384] : memref<640000xi32, #tpu.memory_space<hbm>> -> memref<40xi32, #tpu.memory_space<hbm>>
        %dma_wait3A_386 = arith.constant 0 : i32
        %dma_wait3A_387 = tpu.memref_slice %arg3[%dma_wait3A_386] : memref<640000xi32, #tpu.memory_space<hbm>> -> memref<40xi32, #tpu.memory_space<hbm>>
        tpu.wait_dma2 semaphore(%arg30 : memref<!tpu.dma_semaphore, #tpu.memory_space<semaphore_mem>>) src(%dma_wait3A_387 : memref<40xi32, #tpu.memory_space<hbm>>) dst(%arg14 : memref<40xi32, #tpu.memory_space<vmem>>)
        %dma_start3A_388 = arith.constant 0 : i32
        %dma_start3A_389 = arith.constant 0 : i32
        %dma_start3A_390 = tpu.memref_slice %arg2[%dma_start3A_388, %dma_start3A_389] : memref<10000x128xf32, #tpu.memory_space<hbm>> -> memref<10000x128xf32, #tpu.memory_space<hbm>>
        tpu.enqueue_indirect_dma source(%dma_start3A_390 : memref<10000x128xf32, #tpu.memory_space<hbm>>) target(%arg24 : memref<40x128xf32, #tpu.memory_space<vmem>>) offsets(%arg9 : memref<40xi32, #tpu.memory_space<vmem>>) semaphore(%arg35 : memref<!tpu.dma_semaphore, #tpu.memory_space<semaphore_mem>>)
      } else {
      }
      %dma_wait3A_374 = arith.constant 0 : i32
      %dma_wait3A_375 = arith.constant 0 : i32
      %dma_wait3A_376 = tpu.memref_slice %arg2[%dma_wait3A_374, %dma_wait3A_375] : memref<10000x128xf32, #tpu.memory_space<hbm>> -> memref<10000x128xf32, #tpu.memory_space<hbm>>
      tpu.wait_indirect_dma semaphore(%arg37 : memref<!tpu.dma_semaphore, #tpu.memory_space<semaphore_mem>>) src(%dma_wait3A_376 : memref<10000x128xf32, #tpu.memory_space<hbm>>) dst(%arg26 : memref<40x128xf32, #tpu.memory_space<vmem>>)
      %dma_start3A_377 = arith.constant 0 : i32
      %dma_start3A_378 = arith.constant 0 : i32
      %dma_start3A_379 = tpu.memref_slice %arg27[%dma_start3A_377, %dma_start3A_378] : memref<10000x128xf32, #tpu.memory_space<vmem_shared>> -> memref<10000x128xf32, #tpu.memory_space<vmem_shared>>
      tpu.enqueue_indirect_dma source(%arg26 : memref<40x128xf32, #tpu.memory_space<vmem>>) target(%dma_start3A_379 : memref<10000x128xf32, #tpu.memory_space<vmem_shared>>) offsets(%arg21 : memref<40xi32, #tpu.memory_space<vmem>>) semaphore(%arg42 : memref<!tpu.dma_semaphore, #tpu.memory_space<semaphore_mem>>) {add = true}
    }
    %scan3A_73 = arith.constant 25 : i32
    %dma_wait3A_74 = arith.constant 0 : i32
    %dma_wait3A_75 = arith.constant 0 : i32
    %dma_wait3A_76 = tpu.memref_slice %arg27[%dma_wait3A_74, %dma_wait3A_75] : memref<10000x128xf32, #tpu.memory_space<vmem_shared>> -> memref<10000x128xf32, #tpu.memory_space<vmem_shared>>
    tpu.wait_indirect_dma semaphore(%arg41 : memref<!tpu.dma_semaphore, #tpu.memory_space<semaphore_mem>>) src(%arg25 : memref<40x128xf32, #tpu.memory_space<vmem>>) dst(%dma_wait3A_76 : memref<10000x128xf32, #tpu.memory_space<vmem_shared>>)
    %dma_wait3A_77 = arith.constant 0 : i32
    %dma_wait3A_78 = arith.constant 0 : i32
    %dma_wait3A_79 = tpu.memref_slice %arg27[%dma_wait3A_77, %dma_wait3A_78] : memref<10000x128xf32, #tpu.memory_space<vmem_shared>> -> memref<10000x128xf32, #tpu.memory_space<vmem_shared>>
    tpu.wait_indirect_dma semaphore(%arg42 : memref<!tpu.dma_semaphore, #tpu.memory_space<semaphore_mem>>) src(%arg26 : memref<40x128xf32, #tpu.memory_space<vmem>>) dst(%dma_wait3A_79 : memref<10000x128xf32, #tpu.memory_space<vmem_shared>>)
    %barrier3A_80 = arith.constant 0 : index
    tpu.barrier barrier_id(%barrier3A_80)
    %eq3A_81 = arith.constant 0 : i32
    %eq3A_82 = arith.cmpi eq, %arg0, %eq3A_81 : i32
    %convert_element_type3A_83 = arith.extui %eq3A_82 : i1 to i32
    %cond3A_84 = arith.constant 0 : i32
    %cond3A_85 = arith.cmpi ne, %convert_element_type3A_83, %cond3A_84 : i32
    scf.if %cond3A_85 {
      "tpu.region"() ({
        %run_scoped3A = tpu.sem_alloc : memref<!tpu.dma_semaphore, #tpu.memory_space<semaphore_mem>>
        %dma_start3A_96 = arith.constant 0 : i32
        %dma_start3A_97 = tpu.memref_slice %arg5[%mul3A_35, %dma_start3A_96] : memref<10000x128xf32, #tpu.memory_space<hbm>> -> memref<624x128xf32, #tpu.memory_space<hbm>>
        %dma_start3A_98 = arith.constant 0 : i32
        %dma_start3A_99 = tpu.memref_slice %arg27[%mul3A_35, %dma_start3A_98] : memref<10000x128xf32, #tpu.memory_space<vmem_shared>> -> memref<624x128xf32, #tpu.memory_space<vmem_shared>>
        tpu.enqueue_dma source(%dma_start3A_99 : memref<624x128xf32, #tpu.memory_space<vmem_shared>>) target(%dma_start3A_97 : memref<624x128xf32, #tpu.memory_space<hbm>>) target_semaphore(%run_scoped3A : memref<!tpu.dma_semaphore, #tpu.memory_space<semaphore_mem>>)
        %dma_wait3A_100 = arith.constant 0 : i32
        %dma_wait3A_101 = tpu.memref_slice %arg5[%mul3A_35, %dma_wait3A_100] : memref<10000x128xf32, #tpu.memory_space<hbm>> -> memref<624x128xf32, #tpu.memory_space<hbm>>
        %dma_wait3A_102 = arith.constant 0 : i32
        %dma_wait3A_103 = tpu.memref_slice %arg27[%mul3A_35, %dma_wait3A_102] : memref<10000x128xf32, #tpu.memory_space<vmem_shared>> -> memref<624x128xf32, #tpu.memory_space<vmem_shared>>
        tpu.wait_dma2 semaphore(%run_scoped3A : memref<!tpu.dma_semaphore, #tpu.memory_space<semaphore_mem>>) src(%dma_wait3A_103 : memref<624x128xf32, #tpu.memory_space<vmem_shared>>) dst(%dma_wait3A_101 : memref<624x128xf32, #tpu.memory_space<hbm>>)
        tpu.yield
      }) : () -> ()
      %eq3A_91 = arith.constant 0 : i32
      %eq3A_92 = arith.cmpi eq, %arg1, %eq3A_91 : i32
      %convert_element_type3A_93 = arith.extui %eq3A_92 : i1 to i32
      %cond3A_94 = arith.constant 0 : i32
      %cond3A_95 = arith.cmpi ne, %convert_element_type3A_93, %cond3A_94 : i32
      scf.if %cond3A_95 {
        "tpu.region"() ({
          %run_scoped3A = tpu.sem_alloc : memref<!tpu.dma_semaphore, #tpu.memory_space<semaphore_mem>>
          %dma_start3A_96 = arith.constant 9984 : i32
          %dma_start3A_97 = arith.constant 0 : i32
          %dma_start3A_98 = tpu.memref_slice %arg5[%dma_start3A_96, %dma_start3A_97] : memref<10000x128xf32, #tpu.memory_space<hbm>> -> memref<16x128xf32, #tpu.memory_space<hbm>>
          %dma_start3A_99 = arith.constant 9984 : i32
          %dma_start3A_100 = arith.constant 0 : i32
          %dma_start3A_101 = tpu.memref_slice %arg27[%dma_start3A_99, %dma_start3A_100] : memref<10000x128xf32, #tpu.memory_space<vmem_shared>> -> memref<16x128xf32, #tpu.memory_space<vmem_shared>>
          tpu.enqueue_dma source(%dma_start3A_101 : memref<16x128xf32, #tpu.memory_space<vmem_shared>>) target(%dma_start3A_98 : memref<16x128xf32, #tpu.memory_space<hbm>>) target_semaphore(%run_scoped3A : memref<!tpu.dma_semaphore, #tpu.memory_space<semaphore_mem>>)
          %dma_wait3A_102 = arith.constant 9984 : i32
          %dma_wait3A_103 = arith.constant 0 : i32
          %dma_wait3A_104 = tpu.memref_slice %arg5[%dma_wait3A_102, %dma_wait3A_103] : memref<10000x128xf32, #tpu.memory_space<hbm>> -> memref<16x128xf32, #tpu.memory_space<hbm>>
          %dma_wait3A_105 = arith.constant 9984 : i32
          %dma_wait3A_106 = arith.constant 0 : i32
          %dma_wait3A_107 = tpu.memref_slice %arg27[%dma_wait3A_105, %dma_wait3A_106] : memref<10000x128xf32, #tpu.memory_space<vmem_shared>> -> memref<16x128xf32, #tpu.memory_space<vmem_shared>>
          tpu.wait_dma2 semaphore(%run_scoped3A : memref<!tpu.dma_semaphore, #tpu.memory_space<semaphore_mem>>) src(%dma_wait3A_107 : memref<16x128xf32, #tpu.memory_space<vmem_shared>>) dst(%dma_wait3A_104 : memref<16x128xf32, #tpu.memory_space<hbm>>)
          tpu.yield
        }) : () -> ()
      } else {
      }
    } else {
    }
    %eq3A_86 = arith.constant 1 : i32
    %eq3A_87 = arith.cmpi eq, %arg0, %eq3A_86 : i32
    %convert_element_type3A_88 = arith.extui %eq3A_87 : i1 to i32
    %cond3A_89 = arith.constant 0 : i32
    %cond3A_90 = arith.cmpi ne, %convert_element_type3A_88, %cond3A_89 : i32
    scf.if %cond3A_90 {
      "tpu.region"() ({
        %run_scoped3A = tpu.sem_alloc : memref<!tpu.dma_semaphore, #tpu.memory_space<semaphore_mem>>
        %dma_start3A_96 = arith.constant 0 : i32
        %dma_start3A_97 = tpu.memref_slice %arg6[%mul3A_35, %dma_start3A_96] : memref<10000x128xf32, #tpu.memory_space<hbm>> -> memref<624x128xf32, #tpu.memory_space<hbm>>
        %dma_start3A_98 = arith.constant 0 : i32
        %dma_start3A_99 = tpu.memref_slice %arg27[%mul3A_35, %dma_start3A_98] : memref<10000x128xf32, #tpu.memory_space<vmem_shared>> -> memref<624x128xf32, #tpu.memory_space<vmem_shared>>
        tpu.enqueue_dma source(%dma_start3A_99 : memref<624x128xf32, #tpu.memory_space<vmem_shared>>) target(%dma_start3A_97 : memref<624x128xf32, #tpu.memory_space<hbm>>) target_semaphore(%run_scoped3A : memref<!tpu.dma_semaphore, #tpu.memory_space<semaphore_mem>>)
        %dma_wait3A_100 = arith.constant 0 : i32
        %dma_wait3A_101 = tpu.memref_slice %arg6[%mul3A_35, %dma_wait3A_100] : memref<10000x128xf32, #tpu.memory_space<hbm>> -> memref<624x128xf32, #tpu.memory_space<hbm>>
        %dma_wait3A_102 = arith.constant 0 : i32
        %dma_wait3A_103 = tpu.memref_slice %arg27[%mul3A_35, %dma_wait3A_102] : memref<10000x128xf32, #tpu.memory_space<vmem_shared>> -> memref<624x128xf32, #tpu.memory_space<vmem_shared>>
        tpu.wait_dma2 semaphore(%run_scoped3A : memref<!tpu.dma_semaphore, #tpu.memory_space<semaphore_mem>>) src(%dma_wait3A_103 : memref<624x128xf32, #tpu.memory_space<vmem_shared>>) dst(%dma_wait3A_101 : memref<624x128xf32, #tpu.memory_space<hbm>>)
        tpu.yield
      }) : () -> ()
      %eq3A_91 = arith.constant 0 : i32
      %eq3A_92 = arith.cmpi eq, %arg1, %eq3A_91 : i32
      %convert_element_type3A_93 = arith.extui %eq3A_92 : i1 to i32
      %cond3A_94 = arith.constant 0 : i32
      %cond3A_95 = arith.cmpi ne, %convert_element_type3A_93, %cond3A_94 : i32
      scf.if %cond3A_95 {
        "tpu.region"() ({
          %run_scoped3A = tpu.sem_alloc : memref<!tpu.dma_semaphore, #tpu.memory_space<semaphore_mem>>
          %dma_start3A_96 = arith.constant 9984 : i32
          %dma_start3A_97 = arith.constant 0 : i32
          %dma_start3A_98 = tpu.memref_slice %arg6[%dma_start3A_96, %dma_start3A_97] : memref<10000x128xf32, #tpu.memory_space<hbm>> -> memref<16x128xf32, #tpu.memory_space<hbm>>
          %dma_start3A_99 = arith.constant 9984 : i32
          %dma_start3A_100 = arith.constant 0 : i32
          %dma_start3A_101 = tpu.memref_slice %arg27[%dma_start3A_99, %dma_start3A_100] : memref<10000x128xf32, #tpu.memory_space<vmem_shared>> -> memref<16x128xf32, #tpu.memory_space<vmem_shared>>
          tpu.enqueue_dma source(%dma_start3A_101 : memref<16x128xf32, #tpu.memory_space<vmem_shared>>) target(%dma_start3A_98 : memref<16x128xf32, #tpu.memory_space<hbm>>) target_semaphore(%run_scoped3A : memref<!tpu.dma_semaphore, #tpu.memory_space<semaphore_mem>>)
          %dma_wait3A_102 = arith.constant 9984 : i32
          %dma_wait3A_103 = arith.constant 0 : i32
          %dma_wait3A_104 = tpu.memref_slice %arg6[%dma_wait3A_102, %dma_wait3A_103] : memref<10000x128xf32, #tpu.memory_space<hbm>> -> memref<16x128xf32, #tpu.memory_space<hbm>>
          %dma_wait3A_105 = arith.constant 9984 : i32
          %dma_wait3A_106 = arith.constant 0 : i32
          %dma_wait3A_107 = tpu.memref_slice %arg27[%dma_wait3A_105, %dma_wait3A_106] : memref<10000x128xf32, #tpu.memory_space<vmem_shared>> -> memref<16x128xf32, #tpu.memory_space<vmem_shared>>
          tpu.wait_dma2 semaphore(%run_scoped3A : memref<!tpu.dma_semaphore, #tpu.memory_space<semaphore_mem>>) src(%dma_wait3A_107 : memref<16x128xf32, #tpu.memory_space<vmem_shared>>) dst(%dma_wait3A_104 : memref<16x128xf32, #tpu.memory_space<hbm>>)
          tpu.yield
        }) : () -> ()
      } else {
      }
    } else {
    }
    return
  }
}

module attributes {stable_mosaic.version = 14 : i64} {
  func.func @_mlp_body(%arg0: i32, %arg1: memref<1000x128xf32, #tpu.memory_space<vmem>>, %arg2: memref<1000x128xf32, #tpu.memory_space<vmem>>, %arg3: memref<1000x128xf32, #tpu.memory_space<vmem>>, %arg4: memref<128x128xf32, #tpu.memory_space<vmem>>, %arg5: memref<1x128xf32, #tpu.memory_space<vmem>>, %arg6: memref<128x128xf32, #tpu.memory_space<vmem>>, %arg7: memref<1x128xf32, #tpu.memory_space<vmem>>, %arg8: memref<1xf32, #tpu.memory_space<smem>>, %arg9: memref<1000x128xf32, #tpu.memory_space<vmem>>) attributes {dimension_semantics = [#tpu.dimension_semantics<arbitrary>], iteration_bounds = array<i64: 10>, scalar_prefetch = 0 : i64, scratch_operands = 0 : i64, tpu.core_type = #tpu.core_type<tc>, window_params = [{transform_indices = @transform_0, window_bounds = array<i64: 1000, 128>}, {transform_indices = @transform_1, window_bounds = array<i64: 1000, 128>}, {transform_indices = @transform_2, window_bounds = array<i64: 1000, 128>}, {pipeline_mode = #tpu.pipeline_mode<synchronous>, transform_indices = @transform_3, window_bounds = array<i64: 128, 128>}, {pipeline_mode = #tpu.pipeline_mode<synchronous>, transform_indices = @transform_4, window_bounds = array<i64: 1, 128>}, {pipeline_mode = #tpu.pipeline_mode<synchronous>, transform_indices = @transform_5, window_bounds = array<i64: 128, 128>}, {pipeline_mode = #tpu.pipeline_mode<synchronous>, transform_indices = @transform_6, window_bounds = array<i64: 1, 128>}, {transform_indices = @transform_7, window_bounds = array<i64: 1>}, {transform_indices = @transform_8, window_bounds = array<i64: 1000, 128>}]} {
    %get3A = arith.constant 0 : index
    %get3A_0 = arith.constant 0 : index
    %get3A_1 = vector.load %arg1[%get3A, %get3A_0] : memref<1000x128xf32, #tpu.memory_space<vmem>>, vector<1000x128xf32>
    %get3A_2 = arith.constant 0 : index
    %get3A_3 = memref.load %arg8[%get3A_2] : memref<1xf32, #tpu.memory_space<smem>>
    %mul3A = vector.broadcast %get3A_3 : f32 to vector<1000x128xf32>
    %mul3A_4 = arith.mulf %get3A_1, %mul3A : vector<1000x128xf32>
    %get3A_5 = arith.constant 0 : index
    %get3A_6 = arith.constant 0 : index
    %get3A_7 = vector.load %arg2[%get3A_5, %get3A_6] : memref<1000x128xf32, #tpu.memory_space<vmem>>, vector<1000x128xf32>
    %add3A = arith.addf %mul3A_4, %get3A_7 : vector<1000x128xf32>
    %get3A_8 = arith.constant 0 : index
    %get3A_9 = arith.constant 0 : index
    %get3A_10 = vector.load %arg3[%get3A_8, %get3A_9] : memref<1000x128xf32, #tpu.memory_space<vmem>>, vector<1000x128xf32>
    %add3A_11 = arith.addf %add3A, %get3A_10 : vector<1000x128xf32>
    %get3A_12 = arith.constant 0 : index
    %get3A_13 = arith.constant 0 : index
    %get3A_14 = vector.load %arg4[%get3A_12, %get3A_13] : memref<128x128xf32, #tpu.memory_space<vmem>>, vector<128x128xf32>
    %dot_general3A = arith.constant dense<0.000000e+00> : vector<1000x128xf32>
    %dot_general3A_15 = tpu.matmul %add3A_11, %get3A_14, %dot_general3A {dimension_numbers = #tpu.dot_dimension_numbers<[1], [0], [0], [1], [0, 0, 1, 1], [], []>, transpose_lhs_hint = false} : vector<1000x128xf32>, vector<128x128xf32>, vector<1000x128xf32> -> vector<1000x128xf32>
    %get3A_16 = arith.constant 0 : index
    %get3A_17 = arith.constant 0 : index
    %get3A_18 = vector.load %arg5[%get3A_16, %get3A_17] : memref<1x128xf32, #tpu.memory_space<vmem>>, vector<1x128xf32>
    %add3A_19 = vector.broadcast %get3A_18 : vector<1x128xf32> to vector<1000x128xf32>
    %add3A_20 = arith.addf %dot_general3A_15, %add3A_19 : vector<1000x128xf32>
    %max3A = arith.constant 0.000000e+00 : f32
    %max3A_21 = vector.broadcast %max3A : f32 to vector<1000x128xf32>
    %max3A_22 = arith.maximumf %add3A_20, %max3A_21 : vector<1000x128xf32>
    %get3A_23 = arith.constant 0 : index
    %get3A_24 = arith.constant 0 : index
    %get3A_25 = vector.load %arg6[%get3A_23, %get3A_24] : memref<128x128xf32, #tpu.memory_space<vmem>>, vector<128x128xf32>
    %dot_general3A_26 = arith.constant dense<0.000000e+00> : vector<1000x128xf32>
    %dot_general3A_27 = tpu.matmul %max3A_22, %get3A_25, %dot_general3A_26 {dimension_numbers = #tpu.dot_dimension_numbers<[1], [0], [0], [1], [0, 0, 1, 1], [], []>, transpose_lhs_hint = false} : vector<1000x128xf32>, vector<128x128xf32>, vector<1000x128xf32> -> vector<1000x128xf32>
    %get3A_28 = arith.constant 0 : index
    %get3A_29 = arith.constant 0 : index
    %get3A_30 = vector.load %arg7[%get3A_28, %get3A_29] : memref<1x128xf32, #tpu.memory_space<vmem>>, vector<1x128xf32>
    %add3A_31 = vector.broadcast %get3A_30 : vector<1x128xf32> to vector<1000x128xf32>
    %add3A_32 = arith.addf %dot_general3A_27, %add3A_31 : vector<1000x128xf32>
    %swap3A = arith.constant 0 : index
    %swap3A_33 = arith.constant 0 : index
    %swap3A_34 = vector.load %arg9[%swap3A, %swap3A_33] : memref<1000x128xf32, #tpu.memory_space<vmem>>, vector<1000x128xf32>
    tpu.vector_store %arg9[%swap3A, %swap3A_33], %add3A_32 {strides = array<i32>} : memref<1000x128xf32, #tpu.memory_space<vmem>>, vector<1000x128xf32>,
    return
  }
  func.func @transform_0(%arg0: i32) -> (i32, i32) {
    %c0_i32 = arith.constant 0 : i32
    %c0_i32_0 = arith.constant 0 : i32
    return %arg0, %c0_i32 : i32, i32
  }
  func.func @transform_1(%arg0: i32) -> (i32, i32) {
    %c0_i32 = arith.constant 0 : i32
    %c0_i32_0 = arith.constant 0 : i32
    return %arg0, %c0_i32 : i32, i32
  }
  func.func @transform_2(%arg0: i32) -> (i32, i32) {
    %c0_i32 = arith.constant 0 : i32
    %c0_i32_0 = arith.constant 0 : i32
    return %arg0, %c0_i32 : i32, i32
  }
  func.func @transform_3(%arg0: i32) -> (i32, i32) {
    %c0_i32 = arith.constant 0 : i32
    %c0_i32_0 = arith.constant 0 : i32
    %c0_i32_1 = arith.constant 0 : i32
    return %c0_i32, %c0_i32_0 : i32, i32
  }
  func.func @transform_4(%arg0: i32) -> (i32, i32) {
    %c0_i32 = arith.constant 0 : i32
    %c0_i32_0 = arith.constant 0 : i32
    %c0_i32_1 = arith.constant 0 : i32
    return %c0_i32, %c0_i32_0 : i32, i32
  }
  func.func @transform_5(%arg0: i32) -> (i32, i32) {
    %c0_i32 = arith.constant 0 : i32
    %c0_i32_0 = arith.constant 0 : i32
    %c0_i32_1 = arith.constant 0 : i32
    return %c0_i32, %c0_i32_0 : i32, i32
  }
  func.func @transform_6(%arg0: i32) -> (i32, i32) {
    %c0_i32 = arith.constant 0 : i32
    %c0_i32_0 = arith.constant 0 : i32
    %c0_i32_1 = arith.constant 0 : i32
    return %c0_i32, %c0_i32_0 : i32, i32
  }
  func.func @transform_7(%arg0: i32) -> i32 {
    %c0_i32 = arith.constant 0 : i32
    %c0_i32_0 = arith.constant 0 : i32
    return %c0_i32 : i32
  }
  func.func @transform_8(%arg0: i32) -> (i32, i32) {
    %c0_i32 = arith.constant 0 : i32
    %c0_i32_0 = arith.constant 0 : i32
    return %arg0, %c0_i32 : i32, i32
  }
}

</mosaic_0001>

<sc_bundles>
// kernel: kernel.4.cloned.1.call-start
scs
__scs_entry_jumppad:
0x0: {  	(pc) =	sbr.rel $0x88, $3  }
0x1: {  	(tag) =	ssettag $0x0;
	lr =	simm.s32 $0x1  }
0x2: {  	[smem:$0x3F9A] =	sst lr;
	_ =	strace $0xD0000000  }
0x3: {  	_ = 	snop  }
0x4: {  	_ = 	snop  }
0x5: {  	_ = 	snop  }
0x6: {  	_ = 	snop  }
0x7: {  	_ = 	snop  }
__scs_overlays_trampoline_lowered:
0x8: {  	[smem:$0x3FA9] =	sst s0  }
0x9: {  	[smem:$0x3FAA] =	sst s1  }
0xa: {  	[smem:$0x3FAB] =	sst s2  }
0xb: {  	[smem:$0x3FAC] =	sst s3  }
0xc: {  	[smem:$0x3FAD] =	sst s4  }
0xd: {  	[smem:$0x3FAE] =	sst s5  }
0xe: {  	[smem:$0x3FAF] =	sst s6  }
0xf: {  	[smem:$0x3FB0] =	sst s7  }
0x10: {  	[smem:$0x3FB1] =	sst s8  }
0x11: {  	[smem:$0x3FB2] =	sst s9;
	s0 =	simm.s32 @!p0 $0x0  }
0x12: {  	s1 =	sld [smem:$0x3F98];
	s0 =	simm.s32 @p0 $0x1  }
0x13: {  	[smem:$0x3FB3] =	sst s0;
	s0 =	simm.s32 @!p1 $0x0  }
0x14: {  	s2 =	sld [smem:$0x3F97];
	s0 =	simm.s32 @p1 $0x1  }
0x15: {  	[smem:$0x3FB4] =	sst s0;
	s0 =	simm.s32 @!p2 $0x0  }
0x16: {  	s3 =	sld [smem:$0x3FDB];
	s0 =	simm.s32 @p2 $0x1  }
0x17: {  	s4 =	simm.s32 $0x1BF5;
	[smem:$0x3FB6] =	sst s0  }
0x18: {  	s0 =	sld [smem:$0x3F99];
	_ =	swait.ge [sflag:s4], $0x0  }
0x19: {  	s7 =	sld [smem:$0x3F9A]  }
0x1a: {  	s8 =	sadd.s32 $0xFFFFE003, lr  }
0x1b: {  	s9 =	sadd.s32 $0xFFFFFEF7, lr;
	s5 =	simm.s32 $0xFFFFFFFF;
	p2 =	slt.u32 s8, $0xFFFFF086  }
0x1c: {  	p1 =	slt.u32 s9, $0xF7A;
	s5 =	simm.s32 @!p2 $0x0  }
0x1d: {  	s5 =	simm.s32 @p1 $0x1;
	p0 =	seq.s32 s7, s2  }
0x1e: {  	s7 =	smul.u32 @!p0 $0xF7A, s2;
	p2 =	seq.s32 @!p0 s5, $0x0  }
0x1f: {  	s9 =	smul.u32 $0xF7A, s1;
	s8 =	simm.s32 @!p0 $0x1BF5;
	p2 =	por !p2, p0  }
0x20: {  	[sflag:s8] =	ssyncset.s32 @!p0 $0xFFFFF086;
	s6 =	sadd.s32 @!p0 s3, s7;
	s7 =	simm.s32 @!p0 $0x108  }
0x21: {  	s3 =	sadd.s32 s3, s9;
	s6 =	sadd.s32 @!p0 $0x88, s6;
	s7 =	simm.s32 @p2 $0x1082  }
0x22: {  	[simem:s7], [sflag:s8] =	dma.local @!p0 [hbm:s6], $0xF7A  }
0x23: {  	s9 =	sor.u32 $0xD0000000, s2;
	s6 =	simm.s32 $0x108;
	_ =	swait.ge @!p0 [sflag:s8], $0x0  }
0x24: {  	s3 =	sadd.s32 $0x88, s3;
	s6 =	simm.s32 @!p1 $0x1082;
	[sflag:s4] =	ssyncset.s32 $0xFFFFF086  }
0x25: {  	[simem:s6], [sflag:s4] =	dma.local [hbm:s3], $0xF7A  }
0x26: {  	[smem:$0x3F9A] =	sst s1;
	(tag) =	ssettag s2;
	_ =	strace s9  }
0x27: {  	s1 =	sld [smem:$0x3FAA]  }
0x28: {  	s2 =	sld [smem:$0x3FAB]  }
0x29: {  	s4 =	sld [smem:$0x3FAD]  }
0x2a: {  	p0 =	seq.s32 s5, $0x0;
	s5 =	sld [smem:$0x3FAE]  }
0x2b: {  	s6 =	sld [smem:$0x3FAF]  }
0x2c: {  	s7 =	sld [smem:$0x3FB0]  }
0x2d: {  	s3 =	simm.s32 $0x108;
	s8 =	sld [smem:$0x3FB1]  }
0x2e: {  	s3 =	simm.s32 @!p0 $0x1082;
	s9 =	sld [smem:$0x3FB2]  }
0x2f: {  	lr =	sadd.s32 s0, s3;
	s0 =	sld [smem:$0x3FA9]  }
0x30: {  	s3 =	sld [smem:$0x3FAC]  }
0x31: {  	[smem:$0x3FB5] =	sst s10  }
0x32: {  	s10 =	sld [smem:$0x3FB3];
	_ =	sdelay $0x3  }
0x33: {  	p0 =	seq.s32 s10, $0x1;
	s10 =	sld [smem:$0x3FB5];
	_ =	sdelay $0x3  }
0x34: {  	[smem:$0x3FB5] =	sst s10  }
0x35: {  	s10 =	sld [smem:$0x3FB4];
	_ =	sdelay $0x3  }
0x36: {  	p1 =	seq.s32 s10, $0x1;
	s10 =	sld [smem:$0x3FB5];
	_ =	sdelay $0x3  }
0x37: {  	[smem:$0x3FB5] =	sst s10  }
0x38: {  	s10 =	sld [smem:$0x3FB6]  }
0x39: {  	_ = 	snop;
	(pc) =	sbr.ind lr, $3  }
0x3a: {  	_ = 	snop  }
0x3b: {  	_ = 	snop  }
0x3c: {  	p2 =	seq.s32 s10, $0x1;
	s10 =	sld [smem:$0x3FB5]  }
0x3d: {  	_ =	shalt  }
0x3e: {  	_ =	shalt  }
0x3f: {  	_ =	shalt  }
0x40: {  	_ =	shalt  }
0x41: {  	_ =	shalt  }
0x42: {  	_ =	shalt  }
0x43: {  	_ =	shalt  }
0x44: {  	_ =	shalt  }
0x45: {  	_ =	shalt  }
0x46: {  	_ =	shalt  }
0x47: {  	_ =	shalt  }
0x48: {  	_ =	shalt  }
0x49: {  	_ =	shalt  }
0x4a: {  	_ =	shalt  }
0x4b: {  	_ =	shalt  }
0x4c: {  	_ =	shalt  }
0x4d: {  	_ =	shalt  }
0x4e: {  	_ =	shalt  }
0x4f: {  	_ =	shalt  }
0x50: {  	_ =	shalt  }
0x51: {  	_ =	shalt  }
0x52: {  	_ =	shalt  }
0x53: {  	_ =	shalt  }
0x54: {  	_ =	shalt  }
0x55: {  	_ =	shalt  }
0x56: {  	_ =	shalt  }
0x57: {  	_ =	shalt  }
0x58: {  	_ =	shalt  }
0x59: {  	_ =	shalt  }
0x5a: {  	_ =	shalt  }
0x5b: {  	_ =	shalt  }
0x5c: {  	_ =	shalt  }
0x5d: {  	_ =	shalt  }
0x5e: {  	_ =	shalt  }
0x5f: {  	_ =	shalt  }
0x60: {  	_ =	shalt  }
0x61: {  	_ =	shalt  }
0x62: {  	_ =	shalt  }
0x63: {  	_ =	shalt  }
0x64: {  	_ =	shalt  }
0x65: {  	_ =	shalt  }
0x66: {  	_ =	shalt  }
0x67: {  	_ =	shalt  }
0x68: {  	_ =	shalt  }
0x69: {  	_ =	shalt  }
0x6a: {  	_ =	shalt  }
0x6b: {  	_ =	shalt  }
0x6c: {  	_ =	shalt  }
0x6d: {  	_ =	shalt  }
0x6e: {  	_ =	shalt  }
0x6f: {  	_ =	shalt  }
0x70: {  	_ =	shalt  }
0x71: {  	_ =	shalt  }
0x72: {  	_ =	shalt  }
0x73: {  	_ =	shalt  }
0x74: {  	_ =	shalt  }
0x75: {  	_ =	shalt  }
0x76: {  	_ =	shalt  }
0x77: {  	_ =	shalt  }
0x78: {  	_ =	shalt  }
0x79: {  	_ =	shalt  }
0x7a: {  	_ =	shalt  }
0x7b: {  	_ =	shalt  }
0x7c: {  	_ =	shalt  }
0x7d: {  	_ =	shalt  }
0x7e: {  	_ =	shalt  }
0x7f: {  	_ =	shalt  }
0x80: {  	_ =	shalt  }
0x81: {  	_ =	shalt  }
0x82: {  	_ =	shalt  }
0x83: {  	_ =	shalt  }
0x84: {  	_ =	shalt  }
0x85: {  	_ =	shalt  }
0x86: {  	_ =	shalt  }
0x87: {  	_ =	shalt  }
.Lfunc_end0:
.L_simem_size_0:
called_computation_lowered:
.L_overlay_start_0:
0x88: {  	s2 =	sld [smem:$0x3FD9]  }
0x89: {  	s3 =	sld [smem:$0x3FFE];
	_ =	sdelay $0x1  }
0x8a: {  	s1 =	srdreg.scid  }
0x8b: {  	s0 =	sand.u32 $0x1, s1  }
0x8c: {  	s17 =	sshll.u32 s0, $0xA;
	s2 =	sadd.s32 s3, s2  }
0x8d: {  	s2 =	sadd.s32 s2, s17  }
0x8e: {  	[smem:$0x3FC1] =	sst s2  }
0x8f: {  	_ = 	snop  }
0x90: {  	s2 =	sld [smem:$0x3FC9]  }
0x91: {  	s18 =	sld [smem:$0x3FD0];
	(tm) =	ssettm $0x1  }
0x92: {  	s4 =	sld [smem:$0x3FFB];
	_ =	sdelay $0x3  }
0x93: {  	_ =	strace s4  }
0x94: {  	s4 =	sld [smem:$0x3FFC];
	_ =	sdelay $0x3  }
0x95: {  	_ =	strace s4  }
0x96: {  	s4 =	sld [smem:$0x3FFD];
	_ =	sdelay $0x3  }
0x97: {  	_ =	strace s4  }
0x98: {  	_ =	strace $0x8FFFFFFF  }
0x99: {  	s19 =	sld [smem:$0x3FDB];
	_ =	sdelay $0x1  }
0x9a: {  	s5 =	simm.s32 $_scs_section_size  }
0x9b: {  	s6 =	simm.s32 $_size__tile_overlayer_lowered;
	s7 =	simm.s32 $_tile_overlayer_lowered  }
0x9c: {  	s22 =	simm.s32 $0x1BFF;
	s21 =	sshll.u32 s7, $0x1;
	s4 =	sadd.s32 s5, s19  }
0x9d: {  	s8 =	simm.s32 $0x0;
	s20 =	sshll.u32 s6, $0x1;
	s6 =	sadd.s32 s21, s4  }
0x9e: {  	[timem:s8], [sflag:s22] =	dma.local [hbm:s6], s20  }
0x9f: {  	_ =	swait.ge [sflag:s22], s20  }
0xa0: {  	s5 =	ssub.s32 $0x0, s20;
	[sflag:s22] =	ssyncset.done $0x0  }
0xa1: {  	[sflag:s22] =	ssyncadd.s32 s5;
	_ =	sdelay $0x1  }
0xa2: {  	s23 =	simm.s32 $0x1B8B  }
0xa3: {  	_ =	swait.ge [sflag:s23], $0x1  }
0xa4: {  	[sflag:s23] =	ssyncset.done $0x0  }
0xa5: {  	s25 =	simm.s32 $0x1B8E;
	s24 =	sld [smem:$0x3FFE];
	[sflag:s23] =	ssyncadd.s32 $0xFFFFFFFF  }
0xa6: {  	s26 =	simm.s32 $execute0_lowered;
	[smem:$0x3FD2] =	sst s25  }
0xa7: {  	s6 =	sshll.u32 s26, $0x1;
	_ =	strace $0x80000046;
	[dreg:$0x1] =	wrdreg $0xFFFFFFFF  }
0xa8: {  	s28 =	simm.s32 $_size_execute0_lowered;
	s4 =	sadd.s32 s4, s6;
	[dreg:$0x0] =	wrdreg $0x0  }
0xa9: {  	s6 =	sshll.u32 s28, $0x1;
	[dreg:$0x2] =	wrdreg s4  }
0xaa: {  	[dreg:$0x3] =	wrdreg s6  }
0xab: {  	[dreg:$0x4] =	wrdreg $0xC0  }
0xac: {  	_ =	task [dreg:s8], $0x5FFFF  }
0xad: {  	[dreg:$0x1] =	wrdreg $0xFFFFFFFF  }
0xae: {  	[dreg:$0x0] =	wrdreg $0x60  }
0xaf: {  	[dreg:$0x2] =	wrdreg s2  }
0xb0: {  	[dreg:$0x3] =	wrdreg s24  }
0xb1: {  	[dreg:$0x4] =	wrdreg s18  }
0xb2: {  	[dreg:$0x5] =	wrdreg $0x6B800  }
0xb3: {  	[dreg:$0x6] =	wrdreg $0x9  }
0xb4: {  	_ =	task.clear_ibuf [dreg:s8], $0x7FFFF;
	_ =	strace $0x90000046  }
0xb5: {  	s29 =	simm.s32 $0x9;
	_ =	strace $0x80000048  }
0xb6: {  	_ =	swait.ge [sflag:s29], $0x1  }
0xb7: {  	[sflag:s29] =	ssyncadd.s32 $0xFFFFFFFF  }
0xb8: {  	_ =	strace $0x90000048  }
0xb9: {  	_ =	sfence  }
0xba: {  	s30 =	sld [smem:$0x0];
	_ =	sdelay $0x2  }
0xbb: {  	s31 =	sshll.u32 s1, $0xD;
	s1 =	sshrl.u32 s1, $0x2  }
0xbc: {  	s3 =	sand.u32 $0x4000, s31;
	s1 =	sadd.s32 s1, s30  }
0xbd: {  	s0 =	sor.u32 s3, s0;
	s1 =	sshll.u32 s1, $0x11  }
0xbe: {  	s0 =	sor.u32 s1, s0  }
0xbf: {  	s0 =	sadd.s32 $0x8F2B, s0  }
0xc0: {  	[sflag:s0] =	ssyncadd.remote.s32 $0x1  }
0xc1: {  	_ =	sfence.sel $0xFFFF  }
0xc2: {  	[dreg:$0x0] =	wrdreg $0xFFFFFFFF;
	(pc) =	sbr.abs _section_cstart, $3  }
0xc3: {  	[dreg:$0x1] =	wrdreg $0xFFFFFFFF  }
0xc4: {  	_ =	task.clear_ibuf [dreg:s8], $0x2FFFF;
	_ =	strace $0x9FFFFFFF  }
0xc5: {  	(tm) =	ssettm $0x7FFFFFFF  }
tec
execute0_lowered:
.L_overlay_start_1:
0x0: {  	(tag) =	ssettag $0x1  }
0x1: {  	s1 =	rddreg [dreg:$0x0]  }
0x2: {  	s5 =	rddreg [dreg:$0x1]  }
0x3: {  	s4 =	rddreg [dreg:$0x2]  }
0x4: {  	s21 =	rddreg [dreg:$0x3]  }
0x5: {  	s0 =	srdreg.scid;
	s3 =	simm.s32 $0x0;
	s28 =	simm.s32 $0x280  }
0x6: {  	s30 =	simm.s32 $0x80;
	s29 =	simm.s32 $0x400;
	s8 =	sand.u32 $0x1, s0  }
0x7: {  	[smem:$0x7FF] =	sst s3;
	s0 =	stileid.u32;
	s2 =	sadd.s32 $0x1C00, s5  }
0x8: {  	s12 =	sadd.s32 $0x15600, s5;
	s13 =	sadd.s32 $0x3C800, s5;
	s25 =	smul.u32 $0x4E000, s0  }
0x9: {  	s6 =	sshll.u32 s8, $0x4;
	_ =	strace $0x80000047;
	s31 =	smul.u32 $0x27100, s8  }
0xa: {  	s7 =	ssub.s32 $0x2, s8;
	s14 =	smul.u32 $0x2710, s0;
	[dreg:$0x1b] =	wrdreg s12  }
0xb: {  	p0 =	seq.s32 s8, $0x1;
	[dreg:$0x1c] =	wrdreg s13;
	s6 =	sor.u32 s0, s6  }
0xc: {  	[dreg:$0x19] =	wrdreg s2;
	s9 =	sshrl.u32 s7, $0x1;
	s6 =	smul.u32 $0x2710, s6  }
0xd: {  	p1 =	sne.s32 s0, $0x0;
	s5 =	ssub.s32 s7, s9;
	s9 =	sshrl.u32 s25, $0x2  }
0xe: {  	s9 =	sadd.s32 s9, s21;
	s5 =	smax.u32 s5, $0x1;
	s16 =	sshrl.u32 s6, $0x3  }
0xf: {  	s17 =	sadd.s32 $0x28, s6;
	s10 =	sadd.s32 $0x4E228, s6;
	[smem:$0x7F5] =	sst s9  }
0x10: {  	s24 =	sadd.s32 $0x78, s6;
	[smem:$0x7FB] =	sst s5;
	s11 =	sadd.s32 s2, s16  }
0x11: {  	s18 =	sshrl.u32 s17, $0x3;
	s20 =	sadd.s32 $0x9C40, s11;
	[dreg:$0x1d] =	wrdreg s11  }
0x12: {  	s19 =	sshrl.u32 s10, $0x3;
	s7 =	sadd.s32 s2, s18;
	[dreg:$0x1e] =	wrdreg s20  }
0x13: {  	s6 =	sadd.s32 $0x4E278, s6;
	s22 =	sadd.s32 s2, s19;
	[dreg:$0x1f] =	wrdreg s7  }
0x14: {  	s15 =	sshrl.u32 s6, $0x3;
	s23 =	sadd.s32 $0xA, s11;
	[smem:$0x7F0] =	sst s22  }
0x15: {  	s6 =	smul.u32 $0x2700, s0;
	s26 =	sadd.s32 $0x9C4A, s11;
	[smem:$0x7F1] =	sst s23  }
0x16: {  	p2 =	seq.s32 s0, $0x0;
	s11 =	sadd.s32 s2, s15;
	[smem:$0x7F2] =	sst s26  }
0x17: {  	s5 =	simm.s32 $0x1;
	[smem:$0x7F4] =	sst s11;
	s16 =	sadd.s32 s4, s6  }
0x18: {  	s7 =	sshrl.u32 s24, $0x3;
	s4 =	sadd.s32 $0x27000, s4;
	[smem:$0x7F6] =	sst s16  }
0x19: {  	s17 =	sshll.u32 s0, $0x6;
	s7 =	sadd.s32 s2, s7;
	[smem:$0x7F8] =	sst s4  }
0x1a: {  	s16 =	sor.u32 $0x1C10, s17;
	[smem:$0x7F3] =	sst s7;
	s7 =	sadd.s32 s14, s31  }
0x1b: {  	[smem:$0x7FD] =	sst s16;
	s10 =	sadd.s32 $0x208, s7;
	s19 =	sadd.s32 $0x4E408, s7  }
0x1c: {  	s24 =	sadd.s32 $0x1E0, s7;
	s26 =	sadd.s32 $0x4E3E0, s7;
	s31 =	sadd.s32 $0x1B8, s7  }
0x1d: {  	s15 =	sadd.s32 $0x4E3B8, s7;
	s18 =	sshrl.u32 s10, $0x3;
	s22 =	sshrl.u32 s19, $0x3  }
0x1e: {  	s25 =	sshrl.u32 s24, $0x3;
	s9 =	sshrl.u32 s26, $0x3;
	s11 =	sshrl.u32 s31, $0x3  }
0x1f: {  	s17 =	sshrl.u32 s15, $0x3;
	s19 =	sadd.s32 $0x168, s7;
	s24 =	sadd.s32 $0x4E368, s7  }
0x20: {  	s26 =	sadd.s32 $0x140, s7;
	s31 =	sadd.s32 $0x4E340, s7;
	s20 =	sadd.s32 s18, s2  }
0x21: {  	s10 =	simm.s32 $0x10;
	s23 =	sadd.s32 s22, s2;
	[dreg:$0x5] =	wrdreg s20  }
0x22: {  	s8 =	sadd.s32 s25, s2;
	s9 =	sadd.s32 s9, s2;
	[dreg:$0x6] =	wrdreg s23  }
0x23: {  	s14 =	sadd.s32 s11, s2;
	s18 =	sadd.s32 $0x4E390, s7;
	[dreg:$0x7] =	wrdreg s8  }
0x24: {  	s22 =	sshrl.u32 s19, $0x3;
	s25 =	sshrl.u32 s24, $0x3;
	[dreg:$0x8] =	wrdreg s9  }
0x25: {  	s19 =	sadd.s32 $0x4E318, s7;
	[dreg:$0x9] =	wrdreg s14;
	s8 =	sadd.s32 s17, s2  }
0x26: {  	s9 =	sshrl.u32 s18, $0x3;
	s23 =	sadd.s32 s22, s2;
	s14 =	sshrl.u32 s31, $0x3  }
0x27: {  	s17 =	sadd.s32 $0x118, s7;
	s31 =	sadd.s32 $0xC8, s7;
	[dreg:$0xa] =	wrdreg s8  }
0x28: {  	s20 =	sadd.s32 s9, s2;
	[dreg:$0xc] =	wrdreg s23;
	s8 =	sadd.s32 s25, s2  }
0x29: {  	s9 =	sshrl.u32 s26, $0x3;
	s15 =	sadd.s32 s14, s2;
	[dreg:$0xb] =	wrdreg s20  }
0x2a: {  	s18 =	sshrl.u32 s17, $0x3;
	s25 =	sadd.s32 $0x4E2F0, s7;
	[dreg:$0xd] =	wrdreg s8  }
0x2b: {  	s11 =	sadd.s32 s9, s2;
	[dreg:$0xf] =	wrdreg s15;
	s8 =	sadd.s32 s18, s2  }
0x2c: {  	s9 =	sshrl.u32 s19, $0x3;
	s20 =	sadd.s32 $0xF0, s7;
	s26 =	sshrl.u32 s25, $0x3  }
0x2d: {  	s15 =	sadd.s32 $0x4E2C8, s7;
	s18 =	sadd.s32 $0xA0, s7;
	[dreg:$0xe] =	wrdreg s11  }
0x2e: {  	[dreg:$0x10] =	wrdreg s8;
	s22 =	sadd.s32 s9, s2;
	s23 =	sshrl.u32 s20, $0x3  }
0x2f: {  	s11 =	sadd.s32 $0x138000, s21;
	s8 =	sadd.s32 s26, s2;
	[dreg:$0x11] =	wrdreg s22  }
0x30: {  	s9 =	sshrl.u32 s31, $0x3;
	s17 =	sshrl.u32 s15, $0x3;
	[smem:$0x7F7] =	sst s11  }
0x31: {  	s20 =	sshrl.u32 s18, $0x3;
	s26 =	sadd.s32 $0x190, s7;
	[dreg:$0x13] =	wrdreg s8  }
0x32: {  	s31 =	simm.s32 $0x600;
	s15 =	simm.s32 $0x3;
	[smem:$0x7FC] =	sst s26  }
0x33: {  	s24 =	sadd.s32 s23, s2;
	s14 =	sadd.s32 s9, s2;
	[dreg:$0x18] =	wrdreg s31  }
0x34: {  	s19 =	sadd.s32 s17, s2;
	s22 =	sadd.s32 s20, s2;
	[dreg:$0x12] =	wrdreg s24  }
0x35: {  	s23 =	sadd.s32 $0x4E2A0, s7;
	s17 =	simm.s32 $0x300;
	[dreg:$0x14] =	wrdreg s14  }
0x36: {  	s20 =	simm.s32 $0x100;
	s26 =	simm.s32 $0x380;
	[dreg:$0x15] =	wrdreg s19  }
0x37: {  	s9 =	simm.s32 $0x2;
	s7 =	simm.s32 $0x0;
	[dreg:$0x16] =	wrdreg s22  }
.Ltmp0:
0x38: {  	s24 =	sadd.s32 s12, s6;
	s25 =	sshrl.u32 s23, $0x3;
	(pc) =	sbr.rel .LBB2_1-.Ltmp0, $4  }
0x39: {  	s6 =	sadd.s32 s13, s6;
	s12 =	simm.s32 $0x780;
	s14 =	simm.s32 $0x1B80  }
0x3a: {  	s13 =	simm.s32 $0x4;
	s19 =	simm.s32 $0x5;
	[smem:$0x7F9] =	sst s24  }
0x3b: {  	[smem:$0x7FA] =	sst s6;
	s4 =	sadd.s32 s25, s2;
	s6 =	simm.s32 $0x28  }
0x3c: {  	s25 =	simm.s32 $0x2F80;
	[dreg:$0x17] =	wrdreg s4;
	s4 =	simm.s32 $0x180  }
.LBB2_6:
0x3d: {  	s4 =	sld [smem:$0x7F7];
	_ =	sdelay $0x2  }
0x3e: {  	s0 =	sadd.s32 $0x27000, s8;
	s4 =	sshrl.u32 s4, $0x3  }
0x3f: {  	[hbm:s0], [sflag:s16] =	dma.local [spmem:s4], $0x100  }
0x40: {  	_ =	swait.ge [sflag:s10], $0x100  }
0x41: {  	[sflag:s10] =	ssyncset.done $0x0  }
0x42: {  	s4 =	simm.s32 $0x180;
	[sflag:s10] =	ssyncadd.s32 $0xFFFFFF00  }
.LBB2_7:
0x43: {  	s0 =	sld [smem:$0x7FB];
	_ =	sdelay $0x1  }
0x44: {  	s7 =	sadd.s32 $0x1, s7  }
0x45: {  	p3 =	sne.s32 s7, s0  }
.Ltmp1:
0x46: {  	_ = 	snop;
	(pc) =	sbr.rel @!p3 .LBB2_8-.Ltmp1, $2  }
0x47: {  	_ =	sdelay $0x2  }
0x48: {  	s17 =	simm.s32 $0x300;
	s12 =	simm.s32 $0x780;
	s5 =	simm.s32 $0x1  }
.LBB2_1:
0x49: {  	[smem:$0x7EE] =	sst s7  }
0x4a: {  	s0 =	rddreg [dreg:$0x1d]  }
0x4b: {  	s2 =	rddreg [dreg:$0x1e]  }
0x4c: {  	s7 =	rddreg [dreg:$0x1f]  }
0x4d: {  	s8 =	sld [smem:$0x7F0]  }
0x4e: {  	[tilespmem:s3], [sflag:$0x1] =	stream.linear.gather [hbm4b:s0+s3], $0x28, $0x38;
	[tilespmem:$0x1A400] =	vst v63  }
0x4f: {  	s11 =	sld [smem:$0x7F1]  }
0x50: {  	[tilespmem:s28], [sflag:$0x1] =	stream.linear.gather [hbm4b:s2+s3], $0x28, $0x38;
	[tilespmem:$0x1A400] =	vst v63  }
0x51: {  	s18 =	sld [smem:$0x7F2]  }
0x52: {  	[tilespmem:s30], [sflag:$0x2] =	stream.linear.gather [hbm4b:s7+s3], $0x28, $0x38;
	[tilespmem:$0x1A400] =	vst v63  }
0x53: {  	s22 =	sld [smem:$0x7F3]  }
0x54: {  	[tilespmem:s17], [sflag:$0x2] =	stream.linear.gather [hbm4b:s8+s3], $0x28, $0x38;
	[tilespmem:$0x1A400] =	vst v63  }
0x55: {  	s24 =	sld [smem:$0x7F5]  }
0x56: {  	[tilespmem:s20], [sflag:$0x3] =	stream.linear.gather [hbm4b:s11+s3], $0x28, $0x38;
	[tilespmem:$0x1A400] =	vst v63  }
0x57: {  	s23 =	sld [smem:$0x7F4]  }
0x58: {  	[tilespmem:s26], [sflag:$0x3] =	stream.linear.gather [hbm4b:s18+s3], $0x28, $0x38;
	[tilespmem:$0x1A400] =	vst v63  }
0x59: {  	s2 =	sshrl.u32 s24, $0x3;
	s8 =	sld [smem:$0x7F6]  }
0x5a: {  	[tilespmem:s4], [sflag:$0x4] =	stream.linear.gather [hbm4b:s22+s3], $0x28, $0x38;
	[tilespmem:$0x1A400] =	vst v63  }
0x5b: {  	[smem:$0x7EF] =	sst s2  }
0x5c: {  	[tilespmem:s29], [sflag:$0x4] =	stream.linear.gather [hbm4b:s23+s3], $0x28, $0x38;
	[tilespmem:$0x1A400] =	vst v63  }
0x5d: {  	[spmem:s2], [sflag:s16] =	dma.local [hbm:s8], $0x2700  }
0x5e: {  	_ =	swait.ge [sflag:s10], $0x2700  }
0x5f: {  	s0 =	sld [smem:$0x7F7];
	_ =	sdelay $0x2  }
0x60: {  	s8 =	sshrl.u32 @!p1 s0, $0x3;
	s0 =	sld [smem:$0x7F8]  }
0x61: {  	[sflag:s10] =	ssyncset.done $0x0  }
0x62: {  	[sflag:s10] =	ssyncadd.s32 $0xFFFFD900  }
0x63: {  	[spmem:s8], [sflag:s16] =	dma.local @!p1 [hbm:s0], $0x100  }
0x64: {  	s8 =	simm.s32 @!p1 $0x10  }
0x65: {  	_ =	swait.ge @!p1 [sflag:s8], $0x100  }
0x66: {  	[sflag:s8] =	ssyncset.done @!p1 $0x0  }
0x67: {  	[sflag:s8] =	ssyncadd.s32 @!p1 $0xFFFFFF00  }
0x68: {  	_ =	swait.ge [sflag:s5], $0x28  }
0x69: {  	[sflag:s5] =	ssyncset.done $0x0  }
0x6a: {  	[sflag:s5] =	ssyncadd.s32 $0xFFFFFFD8  }
0x6b: {  	_ =	swait.ge [sflag:s5], $0x28  }
0x6c: {  	[sflag:s5] =	ssyncset.done $0x0  }
0x6d: {  	[sflag:s5] =	ssyncadd.s32 $0xFFFFFFD8  }
0x6e: {  	[tilespmem:s12], [sflag:$0x6] =	stream.indirect.gather [hbm4b:s1+s6], $0x80, s3, s6, $0xb8;
	[tilespmem:$0x1A400] =	vst v63  }
0x6f: {  	_ =	swait.ge [sflag:s9], $0x28  }
0x70: {  	[sflag:s9] =	ssyncset.done $0x0  }
0x71: {  	[sflag:s9] =	ssyncadd.s32 $0xFFFFFFD8  }
0x72: {  	_ =	swait.ge [sflag:s9], $0x28  }
0x73: {  	[sflag:s9] =	ssyncset.done $0x0  }
0x74: {  	[sflag:s9] =	ssyncadd.s32 $0xFFFFFFD8  }
0x75: {  	[tilespmem:s14], [sflag:$0x7] =	stream.indirect.gather [hbm4b:s1+s6], $0x80, s30, s6, $0xb8;
	[tilespmem:$0x1A400] =	vst v63  }
0x76: {  	_ =	swait.ge [sflag:s15], $0x28  }
0x77: {  	[sflag:s15] =	ssyncset.done $0x0  }
0x78: {  	[sflag:s15] =	ssyncadd.s32 $0xFFFFFFD8  }
0x79: {  	_ =	swait.ge [sflag:s15], $0x28  }
0x7a: {  	[sflag:s15] =	ssyncset.done $0x0  }
0x7b: {  	p3 =	por $0x1, $0x1;
	[sflag:s15] =	ssyncadd.s32 $0xFFFFFFD8  }
0x7c: {  	[tilespmem:s25], [sflag:$0x8] =	stream.indirect.gather [hbm4b:s1+s6], $0x80, s20, s6, $0xb8;
	[tilespmem:$0x1A400] =	vst v63  }
0x7d: {  	s8 =	simm.s32 @!p3 $0xE;
	[bflag:$0x0] =	sbarrier.arrive $0xFFFF  }
0x7e: {  	_ =	swait.ge @!p3 [sflag:s8], $0x1400  }
0x7f: {  	s5 =	simm.s32 $0x200;
	s9 =	rddreg [dreg:$0x16];
	[sflag:s8] =	ssyncset.done @!p3 $0x0  }
0x80: {  	s12 =	rddreg [dreg:$0x17];
	[sflag:s8] =	ssyncadd.s32 @!p3 $0xFFFFEC00;
	s8 =	sadd.s32 $0x0, s9  }
0x81: {  	[tilespmem:s5], [sflag:$0x5] =	stream.linear.gather [hbm4b:s8+s3], $0x28, $0x38;
	[tilespmem:$0x1A400] =	vst v63  }
0x82: {  	s8 =	sadd.s32 $0x0, s12;
	s12 =	simm.s32 $0x480  }
0x83: {  	[tilespmem:s12], [sflag:$0x5] =	stream.linear.gather [hbm4b:s8+s3], $0x28, $0x38;
	[tilespmem:$0x1A400] =	vst v63  }
0x84: {  	_ =	swait.ge [sflag:s13], $0x28  }
0x85: {  	[sflag:s13] =	ssyncset.done $0x0  }
0x86: {  	[sflag:s13] =	ssyncadd.s32 $0xFFFFFFD8  }
0x87: {  	_ =	swait.ge [sflag:s13], $0x28  }
0x88: {  	[sflag:s13] =	ssyncset.done $0x0  }
0x89: {  	s10 =	simm.s32 $0x4380;
	s15 =	simm.s32 $0x6;
	[sflag:s13] =	ssyncadd.s32 $0xFFFFFFD8  }
0x8a: {  	[tilespmem:s10], [sflag:$0x9] =	stream.indirect.gather [hbm4b:s1+s6], $0x80, s4, s6, $0xb8;
	[tilespmem:$0x1A400] =	vst v63  }
0x8b: {  	_ =	swait.ge [sflag:s15], $0x1400  }
0x8c: {  	[sflag:s15] =	ssyncset.done $0x0  }
0x8d: {  	s16 =	simm.s32 $0x780;
	s8 =	simm.s32 @!p3 $0xF;
	[sflag:s15] =	ssyncadd.s32 $0xFFFFEC00  }
0x8e: {  	[spmem:s21] =	stream.indirect.scatter.add.f32 [tilespmem:s16], [sflag:$0xB], $0x80, s28, s6, $0xb8;
	[tilespmem:$0x1A400] =	vst v63  }
0x8f: {  	_ =	swait.ge @!p3 [sflag:s8], $0x1400  }
0x90: {  	s10 =	rddreg [dreg:$0x14];
	[sflag:s8] =	ssyncset.done @!p3 $0x0  }
0x91: {  	s12 =	rddreg [dreg:$0x15];
	[sflag:s8] =	ssyncadd.s32 @!p3 $0xFFFFEC00;
	s10 =	sadd.s32 $0x0, s10  }
0x92: {  	[tilespmem:s3], [sflag:$0x1] =	stream.linear.gather [hbm4b:s10+s3], $0x28, $0x38;
	[tilespmem:$0x1A400] =	vst v63  }
0x93: {  	s10 =	sadd.s32 $0x0, s12;
	s12 =	simm.s32 $0x500  }
0x94: {  	[tilespmem:s12], [sflag:$0x1] =	stream.linear.gather [hbm4b:s10+s3], $0x28, $0x38;
	[tilespmem:$0x1A400] =	vst v63  }
0x95: {  	_ =	swait.ge [sflag:s19], $0x28  }
0x96: {  	[sflag:s19] =	ssyncset.done $0x0  }
0x97: {  	[sflag:s19] =	ssyncadd.s32 $0xFFFFFFD8  }
0x98: {  	_ =	swait.ge [sflag:s19], $0x28  }
0x99: {  	[sflag:s19] =	ssyncset.done $0x0  }
0x9a: {  	s11 =	simm.s32 $0x5780;
	s22 =	simm.s32 $0x7;
	[sflag:s19] =	ssyncadd.s32 $0xFFFFFFD8  }
0x9b: {  	[tilespmem:s11], [sflag:$0xA] =	stream.indirect.gather [hbm4b:s1+s6], $0x80, s5, s6, $0xb8;
	[tilespmem:$0x1A400] =	vst v63  }
0x9c: {  	_ =	swait.ge [sflag:s22], $0x1400  }
0x9d: {  	[sflag:s22] =	ssyncset.done $0x0  }
0x9e: {  	s18 =	simm.s32 $0xB;
	[sflag:s22] =	ssyncadd.s32 $0xFFFFEC00  }
0x9f: {  	[spmem:s21] =	stream.indirect.scatter.add.f32 [tilespmem:s14], [sflag:$0xC], $0x80, s17, s6, $0xb8;
	[tilespmem:$0x1A400] =	vst v63  }
0xa0: {  	_ =	swait.ge [sflag:s18], $0x1400  }
0xa1: {  	s10 =	rddreg [dreg:$0x12];
	[sflag:s18] =	ssyncset.done $0x0  }
0xa2: {  	s11 =	rddreg [dreg:$0x13];
	[sflag:s18] =	ssyncadd.s32 $0xFFFFEC00;
	s8 =	sadd.s32 $0x0, s10  }
0xa3: {  	[tilespmem:s30], [sflag:$0x2] =	stream.linear.gather [hbm4b:s8+s3], $0x28, $0x38;
	[tilespmem:$0x1A400] =	vst v63  }
0xa4: {  	s7 =	simm.s32 $0x580;
	s2 =	simm.s32 $0x1;
	s12 =	sadd.s32 $0x0, s11  }
0xa5: {  	[tilespmem:s7], [sflag:$0x2] =	stream.linear.gather [hbm4b:s12+s3], $0x28, $0x38;
	[tilespmem:$0x1A400] =	vst v63  }
0xa6: {  	_ =	swait.ge [sflag:s2], $0x28  }
0xa7: {  	[sflag:s2] =	ssyncset.done $0x0  }
0xa8: {  	[sflag:s2] =	ssyncadd.s32 $0xFFFFFFD8  }
0xa9: {  	_ =	swait.ge [sflag:s2], $0x28  }
0xaa: {  	[sflag:s2] =	ssyncset.done $0x0  }
0xab: {  	s7 =	simm.s32 $0x8;
	[sflag:s2] =	ssyncadd.s32 $0xFFFFFFD8  }
0xac: {  	[tilespmem:s16], [sflag:$0x6] =	stream.indirect.gather [hbm4b:s1+s6], $0x80, s3, s6, $0xb8;
	[tilespmem:$0x1A400] =	vst v63  }
0xad: {  	_ =	swait.ge [sflag:s7], $0x1400  }
0xae: {  	[sflag:s7] =	ssyncset.done $0x0  }
0xaf: {  	s8 =	simm.s32 $0xC;
	[sflag:s7] =	ssyncadd.s32 $0xFFFFEC00  }
0xb0: {  	[spmem:s21] =	stream.indirect.scatter.add.f32 [tilespmem:s25], [sflag:$0xD], $0x80, s26, s6, $0xb8;
	[tilespmem:$0x1A400] =	vst v63  }
0xb1: {  	_ =	swait.ge [sflag:s8], $0x1400  }
0xb2: {  	s10 =	rddreg [dreg:$0x10];
	[sflag:s8] =	ssyncset.done $0x0  }
0xb3: {  	s11 =	rddreg [dreg:$0x11];
	[sflag:s8] =	ssyncadd.s32 $0xFFFFEC00;
	s8 =	sadd.s32 $0x0, s10  }
0xb4: {  	[tilespmem:s20], [sflag:$0x3] =	stream.linear.gather [hbm4b:s8+s3], $0x28, $0x38;
	[tilespmem:$0x1A400] =	vst v63  }
0xb5: {  	s9 =	simm.s32 $0x2;
	s26 =	rddreg [dreg:$0x18];
	s2 =	sadd.s32 $0x0, s11  }
0xb6: {  	[tilespmem:s26], [sflag:$0x3] =	stream.linear.gather [hbm4b:s2+s3], $0x28, $0x38;
	[tilespmem:$0x1A400] =	vst v63  }
0xb7: {  	_ =	swait.ge [sflag:s9], $0x28  }
0xb8: {  	[sflag:s9] =	ssyncset.done $0x0  }
0xb9: {  	[sflag:s9] =	ssyncadd.s32 $0xFFFFFFD8  }
0xba: {  	_ =	swait.ge [sflag:s9], $0x28  }
0xbb: {  	[sflag:s9] =	ssyncset.done $0x0  }
0xbc: {  	s24 =	simm.s32 $0x9;
	[sflag:s9] =	ssyncadd.s32 $0xFFFFFFD8  }
0xbd: {  	[tilespmem:s14], [sflag:$0x7] =	stream.indirect.gather [hbm4b:s1+s6], $0x80, s30, s6, $0xb8;
	[tilespmem:$0x1A400] =	vst v63  }
0xbe: {  	_ =	swait.ge [sflag:s24], $0x1400  }
0xbf: {  	[sflag:s24] =	ssyncset.done $0x0  }
0xc0: {  	s11 =	simm.s32 $0xD;
	s2 =	simm.s32 $0x4380;
	[sflag:s24] =	ssyncadd.s32 $0xFFFFEC00  }
0xc1: {  	[spmem:s21] =	stream.indirect.scatter.add.f32 [tilespmem:s2], [sflag:$0xE], $0x80, s29, s6, $0xb8;
	[tilespmem:$0x1A400] =	vst v63  }
0xc2: {  	_ =	swait.ge [sflag:s11], $0x1400  }
0xc3: {  	s7 =	rddreg [dreg:$0xe];
	[sflag:s11] =	ssyncset.done $0x0  }
0xc4: {  	s9 =	rddreg [dreg:$0xf];
	[sflag:s11] =	ssyncadd.s32 $0xFFFFEC00;
	s8 =	sadd.s32 $0x0, s7  }
0xc5: {  	[tilespmem:s4], [sflag:$0x4] =	stream.linear.gather [hbm4b:s8+s3], $0x28, $0x38;
	[tilespmem:$0x1A400] =	vst v63  }
0xc6: {  	s31 =	simm.s32 $0x3;
	s12 =	sadd.s32 $0x0, s9;
	s9 =	simm.s32 $0x680  }
0xc7: {  	[tilespmem:s9], [sflag:$0x4] =	stream.linear.gather [hbm4b:s12+s3], $0x28, $0x38;
	[tilespmem:$0x1A400] =	vst v63  }
0xc8: {  	_ =	swait.ge [sflag:s31], $0x28  }
0xc9: {  	[sflag:s31] =	ssyncset.done $0x0  }
0xca: {  	[sflag:s31] =	ssyncadd.s32 $0xFFFFFFD8  }
0xcb: {  	_ =	swait.ge [sflag:s31], $0x28  }
0xcc: {  	[sflag:s31] =	ssyncset.done $0x0  }
0xcd: {  	s23 =	simm.s32 $0xA;
	[sflag:s31] =	ssyncadd.s32 $0xFFFFFFD8  }
0xce: {  	[tilespmem:s25], [sflag:$0x8] =	stream.indirect.gather [hbm4b:s1+s6], $0x80, s20, s6, $0xb8;
	[tilespmem:$0x1A400] =	vst v63  }
0xcf: {  	_ =	swait.ge [sflag:s23], $0x1400  }
0xd0: {  	s0 =	simm.s32 $0xE;
	[sflag:s23] =	ssyncset.done $0x0  }
0xd1: {  	s7 =	simm.s32 $0x5780;
	s25 =	simm.s32 $0x480;
	[sflag:s23] =	ssyncadd.s32 $0xFFFFEC00  }
0xd2: {  	[spmem:s21] =	stream.indirect.scatter.add.f32 [tilespmem:s7], [sflag:$0xF], $0x80, s25, s6, $0xb8;
	[tilespmem:$0x1A400] =	vst v63  }
0xd3: {  	_ =	swait.ge [sflag:s0], $0x1400  }
0xd4: {  	s26 =	rddreg [dreg:$0xc];
	[sflag:s0] =	ssyncset.done $0x0  }
0xd5: {  	s29 =	rddreg [dreg:$0xd];
	[sflag:s0] =	ssyncadd.s32 $0xFFFFEC00;
	s8 =	sadd.s32 $0x0, s26  }
0xd6: {  	[tilespmem:s5], [sflag:$0x5] =	stream.linear.gather [hbm4b:s8+s3], $0x28, $0x38;
	[tilespmem:$0x1A400] =	vst v63  }
0xd7: {  	s20 =	simm.s32 $0x700;
	s12 =	sadd.s32 $0x0, s29  }
0xd8: {  	[tilespmem:s20], [sflag:$0x5] =	stream.linear.gather [hbm4b:s12+s3], $0x28, $0x38;
	[tilespmem:$0x1A400] =	vst v63  }
0xd9: {  	_ =	swait.ge [sflag:s13], $0x28  }
0xda: {  	[sflag:s13] =	ssyncset.done $0x0  }
0xdb: {  	[sflag:s13] =	ssyncadd.s32 $0xFFFFFFD8  }
0xdc: {  	_ =	swait.ge [sflag:s13], $0x28  }
0xdd: {  	[sflag:s13] =	ssyncset.done $0x0  }
0xde: {  	[sflag:s13] =	ssyncadd.s32 $0xFFFFFFD8  }
0xdf: {  	[tilespmem:s2], [sflag:$0x9] =	stream.indirect.gather [hbm4b:s1+s6], $0x80, s4, s6, $0xb8;
	[tilespmem:$0x1A400] =	vst v63  }
0xe0: {  	_ =	swait.ge [sflag:s15], $0x1400  }
0xe1: {  	[sflag:s15] =	ssyncset.done $0x0  }
0xe2: {  	s23 =	simm.s32 $0x500;
	s25 =	simm.s32 $0xF;
	[sflag:s15] =	ssyncadd.s32 $0xFFFFEC00  }
0xe3: {  	[spmem:s21] =	stream.indirect.scatter.add.f32 [tilespmem:s16], [sflag:$0xB], $0x80, s23, s6, $0xb8;
	[tilespmem:$0x1A400] =	vst v63  }
0xe4: {  	_ =	swait.ge [sflag:s25], $0x1400  }
0xe5: {  	s0 =	sld [smem:$0x7FC]  }
0xe6: {  	p3 =	por $0x0, $0x0  }
0xe7: {  	s10 =	simm.s32 @!p3 $0x0;
	s26 =	simm.s32 $0xF  }
0xe8: {  	[sflag:s25] =	ssyncset.done $0x0;
	s2 =	rddreg [dreg:$0x19];
	s8 =	sshrl.u32 @!p3 s0, $0x3  }
0xe9: {  	s12 =	rddreg [dreg:$0xb];
	[sflag:s26] =	ssyncadd.s32 $0xFFFFEC00;
	s8 =	sadd.s32 @!p3 s2, s8  }
0xea: {  	[tilespmem:s10], [sflag:$0x1] =	stream.linear.gather @!p3 [hbm4b:s8+s10], $0x28, $0x38;
	[tilespmem:$0x1A400] =	vst v63  }
0xeb: {  	s8 =	sadd.s32 @!p3 $0x0, s12;
	s12 =	simm.s32 @!p3 $0x280  }
0xec: {  	[tilespmem:s12], [sflag:$0x1] =	stream.linear.gather @!p3 [hbm4b:s8+s10], $0x28, $0x38;
	[tilespmem:$0x1A400] =	vst v63  }
0xed: {  	_ =	swait.ge [sflag:s19], $0x28  }
0xee: {  	[sflag:s19] =	ssyncset.done $0x0  }
0xef: {  	[sflag:s19] =	ssyncadd.s32 $0xFFFFFFD8  }
0xf0: {  	_ =	swait.ge [sflag:s19], $0x28  }
0xf1: {  	[sflag:s19] =	ssyncset.done $0x0  }
0xf2: {  	[sflag:s19] =	ssyncadd.s32 $0xFFFFFFD8  }
0xf3: {  	[tilespmem:s7], [sflag:$0xA] =	stream.indirect.gather [hbm4b:s1+s6], $0x80, s5, s6, $0xb8;
	[tilespmem:$0x1A400] =	vst v63  }
0xf4: {  	_ =	swait.ge [sflag:s22], $0x1400  }
0xf5: {  	[sflag:s22] =	ssyncset.done $0x0  }
0xf6: {  	s29 =	simm.s32 $0x580;
	[sflag:s22] =	ssyncadd.s32 $0xFFFFEC00  }
0xf7: {  	[spmem:s21] =	stream.indirect.scatter.add.f32 [tilespmem:s14], [sflag:$0xC], $0x80, s29, s6, $0xb8;
	[tilespmem:$0x1A400] =	vst v63  }
0xf8: {  	_ =	swait.ge [sflag:s18], $0x1400  }
0xf9: {  	[sflag:s18] =	ssyncset.done $0x0  }
0xfa: {  	s8 =	simm.s32 @p3 $0x8;
	[sflag:s18] =	ssyncadd.s32 $0xFFFFEC00  }
0xfb: {  	_ =	swait.ge @p3 [sflag:s8], $0x1400  }
0xfc: {  	s20 =	simm.s32 @p3 $0x600;
	s16 =	simm.s32 @p3 $0xC;
	[sflag:s8] =	ssyncset.done @p3 $0x0  }
0xfd: {  	s12 =	simm.s32 @p3 $0x2F80;
	[sflag:s8] =	ssyncadd.s32 @p3 $0xFFFFEC00;
	s8 =	simm.s32 @p3 $0x28  }
0xfe: {  	[spmem:s21] =	stream.indirect.scatter.add.f32 @p3 [tilespmem:s12], [sflag:$0xD], $0x80, s20, s8, $0xb8;
	[tilespmem:$0x1A400] =	vst v63  }
0xff: {  	_ =	swait.ge @p3 [sflag:s16], $0x1400  }
0x100: {  	s8 =	rddreg [dreg:$0x9]  }
0x101: {  	[sflag:s16] =	ssyncset.done @p3 $0x0;
	s12 =	rddreg [dreg:$0xa]  }
0x102: {  	[sflag:s16] =	ssyncadd.s32 @p3 $0xFFFFEC00;
	s8 =	sadd.s32 @!p3 $0x0, s8;
	s16 =	simm.s32 @!p3 $0x80  }
0x103: {  	[tilespmem:s16], [sflag:$0x2] =	stream.linear.gather @!p3 [hbm4b:s8+s10], $0x28, $0x38;
	[tilespmem:$0x1A400] =	vst v63  }
0x104: {  	s20 =	simm.s32 @!p3 $0x1;
	s8 =	sadd.s32 @!p3 $0x0, s12;
	s12 =	simm.s32 @!p3 $0x300  }
0x105: {  	[tilespmem:s12], [sflag:$0x2] =	stream.linear.gather @!p3 [hbm4b:s8+s10], $0x28, $0x38;
	[tilespmem:$0x1A400] =	vst v63  }
0x106: {  	_ =	swait.ge @!p3 [sflag:s20], $0x28  }
0x107: {  	[sflag:s20] =	ssyncset.done @!p3 $0x0  }
0x108: {  	[sflag:s20] =	ssyncadd.s32 @!p3 $0xFFFFFFD8  }
0x109: {  	_ =	swait.ge @!p3 [sflag:s20], $0x28  }
0x10a: {  	s8 =	simm.s32 @!p3 $0x8;
	[sflag:s20] =	ssyncset.done @!p3 $0x0  }
0x10b: {  	s12 =	simm.s32 @!p3 $0x28;
	[sflag:s20] =	ssyncadd.s32 @!p3 $0xFFFFFFD8;
	s20 =	simm.s32 @!p3 $0x780  }
0x10c: {  	[tilespmem:s20], [sflag:$0x6] =	stream.indirect.gather @!p3 [hbm4b:s1+s12], $0x80, s10, s12, $0xb8;
	[tilespmem:$0x1A400] =	vst v63  }
0x10d: {  	_ =	swait.ge @!p3 [sflag:s8], $0x1400  }
0x10e: {  	s23 =	simm.s32 @!p3 $0x2F80;
	[sflag:s8] =	ssyncset.done @!p3 $0x0  }
0x10f: {  	s20 =	simm.s32 @!p3 $0xC;
	[sflag:s8] =	ssyncadd.s32 @!p3 $0xFFFFEC00;
	s8 =	simm.s32 @!p3 $0x600  }
0x110: {  	[spmem:s21] =	stream.indirect.scatter.add.f32 @!p3 [tilespmem:s23], [sflag:$0xD], $0x80, s8, s12, $0xb8;
	[tilespmem:$0x1A400] =	vst v63  }
0x111: {  	_ =	swait.ge @!p3 [sflag:s20], $0x1400  }
0x112: {  	s8 =	rddreg [dreg:$0x7]  }
0x113: {  	[sflag:s20] =	ssyncset.done @!p3 $0x0;
	s25 =	rddreg [dreg:$0x8]  }
0x114: {  	[sflag:s20] =	ssyncadd.s32 @!p3 $0xFFFFEC00;
	s8 =	sadd.s32 @!p3 $0x0, s8;
	s20 =	simm.s32 @!p3 $0x100  }
0x115: {  	[tilespmem:s20], [sflag:$0x3] =	stream.linear.gather @!p3 [hbm4b:s8+s10], $0x28, $0x38;
	[tilespmem:$0x1A400] =	vst v63  }
0x116: {  	s8 =	sadd.s32 @!p3 $0x0, s25;
	s25 =	simm.s32 @!p3 $0x380  }
0x117: {  	[tilespmem:s25], [sflag:$0x3] =	stream.linear.gather @!p3 [hbm4b:s8+s10], $0x28, $0x38;
	[tilespmem:$0x1A400] =	vst v63  }
0x118: {  	s8 =	simm.s32 @!p3 $0x2  }
0x119: {  	_ =	swait.ge @!p3 [sflag:s8], $0x28  }
0x11a: {  	[sflag:s8] =	ssyncset.done @!p3 $0x0  }
0x11b: {  	[sflag:s8] =	ssyncadd.s32 @!p3 $0xFFFFFFD8  }
0x11c: {  	_ =	swait.ge @!p3 [sflag:s8], $0x28  }
0x11d: {  	[sflag:s8] =	ssyncset.done @!p3 $0x0  }
0x11e: {  	[sflag:s8] =	ssyncadd.s32 @!p3 $0xFFFFFFD8;
	s8 =	simm.s32 @!p3 $0x1B80  }
0x11f: {  	[tilespmem:s8], [sflag:$0x7] =	stream.indirect.gather @!p3 [hbm4b:s1+s12], $0x80, s16, s12, $0xb8;
	[tilespmem:$0x1A400] =	vst v63  }
0x120: {  	_ =	swait.ge [sflag:s24], $0x1400  }
0x121: {  	[sflag:s24] =	ssyncset.done $0x0  }
0x122: {  	s4 =	simm.s32 $0x4380;
	[sflag:s24] =	ssyncadd.s32 $0xFFFFEC00  }
0x123: {  	[spmem:s21] =	stream.indirect.scatter.add.f32 [tilespmem:s4], [sflag:$0xE], $0x80, s9, s6, $0xb8;
	[tilespmem:$0x1A400] =	vst v63  }
0x124: {  	_ =	swait.ge [sflag:s11], $0x1400  }
0x125: {  	s25 =	simm.s32 @!p3 $0x180;
	s8 =	rddreg [dreg:$0x5];
	[sflag:s11] =	ssyncset.done $0x0  }
0x126: {  	s16 =	rddreg [dreg:$0x6];
	[sflag:s11] =	ssyncadd.s32 $0xFFFFEC00;
	s8 =	sadd.s32 @!p3 $0x0, s8  }
0x127: {  	[tilespmem:s25], [sflag:$0x4] =	stream.linear.gather @!p3 [hbm4b:s8+s10], $0x28, $0x38;
	[tilespmem:$0x1A400] =	vst v63  }
0x128: {  	s8 =	sadd.s32 @!p3 $0x0, s16;
	s16 =	simm.s32 @!p3 $0x400  }
0x129: {  	[tilespmem:s16], [sflag:$0x4] =	stream.linear.gather @!p3 [hbm4b:s8+s10], $0x28, $0x38;
	[tilespmem:$0x1A400] =	vst v63  }
0x12a: {  	s8 =	simm.s32 @!p3 $0x3  }
0x12b: {  	_ =	swait.ge @!p3 [sflag:s8], $0x28  }
0x12c: {  	[sflag:s8] =	ssyncset.done @!p3 $0x0  }
0x12d: {  	[sflag:s8] =	ssyncadd.s32 @!p3 $0xFFFFFFD8  }
0x12e: {  	_ =	swait.ge @!p3 [sflag:s8], $0x28  }
0x12f: {  	[sflag:s8] =	ssyncset.done @!p3 $0x0  }
0x130: {  	s31 =	simm.s32 $0xA;
	[sflag:s8] =	ssyncadd.s32 @!p3 $0xFFFFFFD8  }
0x131: {  	[tilespmem:s23], [sflag:$0x8] =	stream.indirect.gather @!p3 [hbm4b:s1+s12], $0x80, s20, s12, $0xb8;
	[tilespmem:$0x1A400] =	vst v63  }
0x132: {  	p4 =	por $0x0, $0x0;
	s10 =	simm.s32 $0x32;
	_ =	swait.ge [sflag:s31], $0x1400  }
0x133: {  	s16 =	simm.s32 $0x64;
	s12 =	sadd.s32 $0x190, s0;
	[sflag:s31] =	ssyncset.done $0x0  }
.LBB2_2:
0x134: {  	s8 =	simm.s32 @!p4 $0xE;
	[sflag:s31] =	ssyncadd.s32 $0xFFFFEC00;
	s0 =	smov.u32 s16  }
0x135: {  	s4 =	simm.s32 $0x5780;
	s14 =	simm.s32 $0x700;
	[dreg:$0x1a] =	wrdreg s0  }
0x136: {  	[spmem:s21] =	stream.indirect.scatter.add.f32 [tilespmem:s4], [sflag:$0xF], $0x80, s14, s6, $0xb8;
	[tilespmem:$0x1A400] =	vst v63  }
0x137: {  	_ =	swait.ge @!p4 [sflag:s8], $0x1400  }
0x138: {  	s5 =	simm.s32 $0x200;
	[sflag:s8] =	ssyncset.done @!p4 $0x0;
	s20 =	rddreg [dreg:$0x16]  }
0x139: {  	s18 =	rddreg [dreg:$0x17];
	[sflag:s8] =	ssyncadd.s32 @!p4 $0xFFFFEC00;
	s20 =	sadd.s32 s10, s20  }
0x13a: {  	[tilespmem:s5], [sflag:$0x5] =	stream.linear.gather [hbm4b:s20+s3], $0x28, $0x38;
	[tilespmem:$0x1A400] =	vst v63  }
0x13b: {  	s26 =	simm.s32 $0x480;
	s8 =	sadd.s32 s10, s18  }
0x13c: {  	[tilespmem:s26], [sflag:$0x5] =	stream.linear.gather [hbm4b:s8+s3], $0x28, $0x38;
	[tilespmem:$0x1A400] =	vst v63  }
0x13d: {  	_ =	swait.ge [sflag:s13], $0x28  }
0x13e: {  	[sflag:s13] =	ssyncset.done $0x0  }
0x13f: {  	[sflag:s13] =	ssyncadd.s32 $0xFFFFFFD8  }
0x140: {  	_ =	swait.ge [sflag:s13], $0x28  }
0x141: {  	s7 =	simm.s32 $0x4380;
	[sflag:s13] =	ssyncset.done $0x0  }
0x142: {  	s29 =	simm.s32 $0x180;
	s15 =	simm.s32 $0x6;
	[sflag:s13] =	ssyncadd.s32 $0xFFFFFFD8  }
0x143: {  	[tilespmem:s7], [sflag:$0x9] =	stream.indirect.gather [hbm4b:s1+s6], $0x80, s29, s6, $0xb8;
	[tilespmem:$0x1A400] =	vst v63  }
0x144: {  	_ =	swait.ge [sflag:s15], $0x1400  }
0x145: {  	[sflag:s15] =	ssyncset.done $0x0  }
0x146: {  	s31 =	simm.s32 $0x780;
	s8 =	simm.s32 @!p4 $0xF;
	[sflag:s15] =	ssyncadd.s32 $0xFFFFEC00  }
0x147: {  	[spmem:s21] =	stream.indirect.scatter.add.f32 [tilespmem:s31], [sflag:$0xB], $0x80, s28, s6, $0xb8;
	[tilespmem:$0x1A400] =	vst v63  }
0x148: {  	_ =	swait.ge @!p4 [sflag:s8], $0x1400  }
0x149: {  	s22 =	rddreg [dreg:$0x14];
	[sflag:s8] =	ssyncset.done @!p4 $0x0  }
0x14a: {  	s25 =	rddreg [dreg:$0x15];
	[sflag:s8] =	ssyncadd.s32 @!p4 $0xFFFFEC00;
	s23 =	sadd.s32 s10, s22  }
0x14b: {  	[tilespmem:s3], [sflag:$0x1] =	stream.linear.gather [hbm4b:s23+s3], $0x28, $0x38;
	[tilespmem:$0x1A400] =	vst v63  }
0x14c: {  	s28 =	simm.s32 $0x500;
	s24 =	sadd.s32 s10, s25  }
0x14d: {  	[tilespmem:s28], [sflag:$0x1] =	stream.linear.gather [hbm4b:s24+s3], $0x28, $0x38;
	[tilespmem:$0x1A400] =	vst v63  }
0x14e: {  	_ =	swait.ge [sflag:s19], $0x28  }
0x14f: {  	[sflag:s19] =	ssyncset.done $0x0  }
0x150: {  	[sflag:s19] =	ssyncadd.s32 $0xFFFFFFD8  }
0x151: {  	_ =	swait.ge [sflag:s19], $0x28  }
0x152: {  	[sflag:s19] =	ssyncset.done $0x0  }
0x153: {  	s22 =	simm.s32 $0x7;
	[sflag:s19] =	ssyncadd.s32 $0xFFFFFFD8  }
0x154: {  	[tilespmem:s4], [sflag:$0xA] =	stream.indirect.gather [hbm4b:s1+s6], $0x80, s5, s6, $0xb8;
	[tilespmem:$0x1A400] =	vst v63  }
0x155: {  	_ =	swait.ge [sflag:s22], $0x1400  }
0x156: {  	[sflag:s22] =	ssyncset.done $0x0  }
0x157: {  	s9 =	simm.s32 $0x1B80;
	s18 =	simm.s32 $0xB;
	[sflag:s22] =	ssyncadd.s32 $0xFFFFEC00  }
0x158: {  	[spmem:s21] =	stream.indirect.scatter.add.f32 [tilespmem:s9], [sflag:$0xC], $0x80, s17, s6, $0xb8;
	[tilespmem:$0x1A400] =	vst v63  }
0x159: {  	_ =	swait.ge [sflag:s18], $0x1400  }
0x15a: {  	s25 =	rddreg [dreg:$0x12];
	[sflag:s18] =	ssyncset.done $0x0  }
0x15b: {  	s17 =	rddreg [dreg:$0x13];
	[sflag:s18] =	ssyncadd.s32 $0xFFFFEC00;
	s8 =	sadd.s32 s10, s25  }
0x15c: {  	[tilespmem:s30], [sflag:$0x2] =	stream.linear.gather [hbm4b:s8+s3], $0x28, $0x38;
	[tilespmem:$0x1A400] =	vst v63  }
0x15d: {  	s24 =	simm.s32 $0x1;
	s23 =	sadd.s32 s10, s17;
	s17 =	simm.s32 $0x580  }
0x15e: {  	[tilespmem:s17], [sflag:$0x2] =	stream.linear.gather [hbm4b:s23+s3], $0x28, $0x38;
	[tilespmem:$0x1A400] =	vst v63  }
0x15f: {  	_ =	swait.ge [sflag:s24], $0x28  }
0x160: {  	[sflag:s24] =	ssyncset.done $0x0  }
0x161: {  	[sflag:s24] =	ssyncadd.s32 $0xFFFFFFD8  }
0x162: {  	_ =	swait.ge [sflag:s24], $0x28  }
0x163: {  	[sflag:s24] =	ssyncset.done $0x0  }
0x164: {  	s25 =	simm.s32 $0x8;
	[sflag:s24] =	ssyncadd.s32 $0xFFFFFFD8  }
0x165: {  	[tilespmem:s31], [sflag:$0x6] =	stream.indirect.gather [hbm4b:s1+s6], $0x80, s3, s6, $0xb8;
	[tilespmem:$0x1A400] =	vst v63  }
0x166: {  	_ =	swait.ge [sflag:s25], $0x1400  }
0x167: {  	s20 =	simm.s32 $0x380;
	s23 =	smov.u32 s1;
	[sflag:s25] =	ssyncset.done $0x0  }
0x168: {  	s24 =	simm.s32 $0xC;
	s1 =	simm.s32 $0x2F80;
	[sflag:s25] =	ssyncadd.s32 $0xFFFFEC00  }
0x169: {  	[spmem:s21] =	stream.indirect.scatter.add.f32 [tilespmem:s1], [sflag:$0xD], $0x80, s20, s6, $0xb8;
	[tilespmem:$0x1A400] =	vst v63  }
0x16a: {  	_ =	swait.ge [sflag:s24], $0x1400  }
0x16b: {  	s2 =	smov.u32 s21;
	s21 =	rddreg [dreg:$0x10]  }
0x16c: {  	[sflag:s24] =	ssyncset.done $0x0;
	s25 =	rddreg [dreg:$0x11]  }
0x16d: {  	[sflag:s24] =	ssyncadd.s32 $0xFFFFEC00;
	s8 =	sadd.s32 s10, s21;
	s21 =	simm.s32 $0x100  }
0x16e: {  	[tilespmem:s21], [sflag:$0x3] =	stream.linear.gather [hbm4b:s8+s3], $0x28, $0x38;
	[tilespmem:$0x1A400] =	vst v63  }
0x16f: {  	s24 =	rddreg [dreg:$0x18];
	s20 =	sadd.s32 s10, s25  }
0x170: {  	[tilespmem:s24], [sflag:$0x3] =	stream.linear.gather [hbm4b:s20+s3], $0x28, $0x38;
	[tilespmem:$0x1A400] =	vst v63  }
0x171: {  	s24 =	simm.s32 $0x2  }
0x172: {  	_ =	swait.ge [sflag:s24], $0x28  }
0x173: {  	[sflag:s24] =	ssyncset.done $0x0  }
0x174: {  	[sflag:s24] =	ssyncadd.s32 $0xFFFFFFD8  }
0x175: {  	_ =	swait.ge [sflag:s24], $0x28  }
0x176: {  	[sflag:s24] =	ssyncset.done $0x0  }
0x177: {  	[sflag:s24] =	ssyncadd.s32 $0xFFFFFFD8;
	s24 =	simm.s32 $0x9  }
0x178: {  	[tilespmem:s9], [sflag:$0x7] =	stream.indirect.gather [hbm4b:s23+s6], $0x80, s30, s6, $0xb8;
	[tilespmem:$0x1A400] =	vst v63  }
0x179: {  	_ =	swait.ge [sflag:s24], $0x1400  }
0x17a: {  	[sflag:s24] =	ssyncset.done $0x0  }
0x17b: {  	s25 =	simm.s32 $0x400;
	[sflag:s24] =	ssyncadd.s32 $0xFFFFEC00  }
0x17c: {  	[spmem:s2] =	stream.indirect.scatter.add.f32 [tilespmem:s7], [sflag:$0xE], $0x80, s25, s6, $0xb8;
	[tilespmem:$0x1A400] =	vst v63  }
0x17d: {  	_ =	swait.ge [sflag:s11], $0x1400  }
0x17e: {  	s20 =	rddreg [dreg:$0xe];
	[sflag:s11] =	ssyncset.done $0x0  }
0x17f: {  	s25 =	rddreg [dreg:$0xf];
	[sflag:s11] =	ssyncadd.s32 $0xFFFFEC00;
	s8 =	sadd.s32 s10, s20  }
0x180: {  	[tilespmem:s29], [sflag:$0x4] =	stream.linear.gather [hbm4b:s8+s3], $0x28, $0x38;
	[tilespmem:$0x1A400] =	vst v63  }
0x181: {  	s20 =	sadd.s32 s10, s25;
	s11 =	simm.s32 $0x680;
	s25 =	simm.s32 $0x3  }
0x182: {  	[tilespmem:s11], [sflag:$0x4] =	stream.linear.gather [hbm4b:s20+s3], $0x28, $0x38;
	[tilespmem:$0x1A400] =	vst v63  }
0x183: {  	_ =	swait.ge [sflag:s25], $0x28  }
0x184: {  	[sflag:s25] =	ssyncset.done $0x0  }
0x185: {  	[sflag:s25] =	ssyncadd.s32 $0xFFFFFFD8  }
0x186: {  	_ =	swait.ge [sflag:s25], $0x28  }
0x187: {  	[sflag:s25] =	ssyncset.done $0x0  }
0x188: {  	s0 =	simm.s32 $0xA;
	[sflag:s25] =	ssyncadd.s32 $0xFFFFFFD8  }
0x189: {  	[tilespmem:s1], [sflag:$0x8] =	stream.indirect.gather [hbm4b:s23+s6], $0x80, s21, s6, $0xb8;
	[tilespmem:$0x1A400] =	vst v63  }
0x18a: {  	_ =	swait.ge [sflag:s0], $0x1400  }
0x18b: {  	[sflag:s0] =	ssyncset.done $0x0  }
0x18c: {  	s8 =	simm.s32 $0xE;
	[sflag:s0] =	ssyncadd.s32 $0xFFFFEC00  }
0x18d: {  	[spmem:s2] =	stream.indirect.scatter.add.f32 [tilespmem:s4], [sflag:$0xF], $0x80, s26, s6, $0xb8;
	[tilespmem:$0x1A400] =	vst v63  }
0x18e: {  	_ =	swait.ge [sflag:s8], $0x1400  }
0x18f: {  	s20 =	rddreg [dreg:$0xc];
	[sflag:s8] =	ssyncset.done $0x0  }
0x190: {  	s21 =	rddreg [dreg:$0xd];
	[sflag:s8] =	ssyncadd.s32 $0xFFFFEC00;
	s8 =	sadd.s32 s10, s20  }
0x191: {  	[tilespmem:s5], [sflag:$0x5] =	stream.linear.gather [hbm4b:s8+s3], $0x28, $0x38;
	[tilespmem:$0x1A400] =	vst v63  }
0x192: {  	s25 =	sadd.s32 s10, s21  }
0x193: {  	[tilespmem:s14], [sflag:$0x5] =	stream.linear.gather [hbm4b:s25+s3], $0x28, $0x38;
	[tilespmem:$0x1A400] =	vst v63  }
0x194: {  	_ =	swait.ge [sflag:s13], $0x28  }
0x195: {  	[sflag:s13] =	ssyncset.done $0x0  }
0x196: {  	[sflag:s13] =	ssyncadd.s32 $0xFFFFFFD8  }
0x197: {  	_ =	swait.ge [sflag:s13], $0x28  }
0x198: {  	[sflag:s13] =	ssyncset.done $0x0  }
0x199: {  	[sflag:s13] =	ssyncadd.s32 $0xFFFFFFD8  }
0x19a: {  	[tilespmem:s7], [sflag:$0x9] =	stream.indirect.gather [hbm4b:s23+s6], $0x80, s29, s6, $0xb8;
	[tilespmem:$0x1A400] =	vst v63  }
0x19b: {  	_ =	swait.ge [sflag:s15], $0x1400  }
0x19c: {  	[sflag:s15] =	ssyncset.done $0x0  }
0x19d: {  	p4 =	seq.s32 s10, $0x4B0;
	s26 =	simm.s32 $0xF;
	[sflag:s15] =	ssyncadd.s32 $0xFFFFEC00  }
0x19e: {  	[spmem:s2] =	stream.indirect.scatter.add.f32 [tilespmem:s31], [sflag:$0xB], $0x80, s28, s6, $0xb8;
	[tilespmem:$0x1A400] =	vst v63  }
0x19f: {  	s8 =	sshrl.u32 @!p4 s12, $0x3;
	_ =	swait.ge [sflag:s26], $0x1400  }
0x1a0: {  	s29 =	simm.s32 @!p4 $0x0;
	[sflag:s26] =	ssyncset.done $0x0;
	s0 =	rddreg [dreg:$0x19]  }
0x1a1: {  	s20 =	rddreg [dreg:$0xb];
	[sflag:s26] =	ssyncadd.s32 $0xFFFFEC00;
	s8 =	sadd.s32 @!p4 s0, s8  }
0x1a2: {  	[tilespmem:s29], [sflag:$0x1] =	stream.linear.gather @!p4 [hbm4b:s8+s29], $0x28, $0x38;
	[tilespmem:$0x1A400] =	vst v63  }
0x1a3: {  	s8 =	sadd.s32 @!p4 s10, s20;
	s20 =	simm.s32 @!p4 $0x280  }
0x1a4: {  	[tilespmem:s20], [sflag:$0x1] =	stream.linear.gather @!p4 [hbm4b:s8+s29], $0x28, $0x38;
	[tilespmem:$0x1A400] =	vst v63  }
0x1a5: {  	_ =	swait.ge [sflag:s19], $0x28  }
0x1a6: {  	[sflag:s19] =	ssyncset.done $0x0  }
0x1a7: {  	[sflag:s19] =	ssyncadd.s32 $0xFFFFFFD8  }
0x1a8: {  	_ =	swait.ge [sflag:s19], $0x28  }
0x1a9: {  	[sflag:s19] =	ssyncset.done $0x0  }
0x1aa: {  	[sflag:s19] =	ssyncadd.s32 $0xFFFFFFD8  }
0x1ab: {  	[tilespmem:s4], [sflag:$0xA] =	stream.indirect.gather [hbm4b:s23+s6], $0x80, s5, s6, $0xb8;
	[tilespmem:$0x1A400] =	vst v63  }
0x1ac: {  	_ =	swait.ge [sflag:s22], $0x1400  }
0x1ad: {  	[sflag:s22] =	ssyncset.done $0x0  }
0x1ae: {  	[sflag:s22] =	ssyncadd.s32 $0xFFFFEC00  }
0x1af: {  	[spmem:s2] =	stream.indirect.scatter.add.f32 [tilespmem:s9], [sflag:$0xC], $0x80, s17, s6, $0xb8;
	[tilespmem:$0x1A400] =	vst v63  }
0x1b0: {  	_ =	swait.ge [sflag:s18], $0x1400  }
0x1b1: {  	[sflag:s18] =	ssyncset.done $0x0  }
0x1b2: {  	s8 =	simm.s32 @p4 $0x8;
	[sflag:s18] =	ssyncadd.s32 $0xFFFFEC00  }
0x1b3: {  	_ =	swait.ge @p4 [sflag:s8], $0x1400  }
0x1b4: {  	s30 =	simm.s32 @p4 $0x600;
	s25 =	simm.s32 @p4 $0xC;
	[sflag:s8] =	ssyncset.done @p4 $0x0  }
0x1b5: {  	s20 =	simm.s32 @p4 $0x2F80;
	[sflag:s8] =	ssyncadd.s32 @p4 $0xFFFFEC00;
	s8 =	simm.s32 @p4 $0x28  }
0x1b6: {  	[spmem:s2] =	stream.indirect.scatter.add.f32 @p4 [tilespmem:s20], [sflag:$0xD], $0x80, s30, s8, $0xb8;
	[tilespmem:$0x1A400] =	vst v63  }
0x1b7: {  	_ =	swait.ge @p4 [sflag:s25], $0x1400  }
0x1b8: {  	s20 =	simm.s32 @!p4 $0x80;
	s8 =	rddreg [dreg:$0x9];
	[sflag:s25] =	ssyncset.done @p4 $0x0  }
0x1b9: {  	s30 =	rddreg [dreg:$0xa];
	[sflag:s25] =	ssyncadd.s32 @p4 $0xFFFFEC00;
	s8 =	sadd.s32 @!p4 s10, s8  }
0x1ba: {  	[tilespmem:s20], [sflag:$0x2] =	stream.linear.gather @!p4 [hbm4b:s8+s29], $0x28, $0x38;
	[tilespmem:$0x1A400] =	vst v63  }
0x1bb: {  	s25 =	simm.s32 @!p4 $0x300;
	s8 =	sadd.s32 @!p4 s10, s30;
	s30 =	simm.s32 @!p4 $0x1  }
0x1bc: {  	[tilespmem:s25], [sflag:$0x2] =	stream.linear.gather @!p4 [hbm4b:s8+s29], $0x28, $0x38;
	[tilespmem:$0x1A400] =	vst v63  }
0x1bd: {  	_ =	swait.ge @!p4 [sflag:s30], $0x28  }
0x1be: {  	[sflag:s30] =	ssyncset.done @!p4 $0x0  }
0x1bf: {  	[sflag:s30] =	ssyncadd.s32 @!p4 $0xFFFFFFD8  }
0x1c0: {  	_ =	swait.ge @!p4 [sflag:s30], $0x28  }
0x1c1: {  	s8 =	simm.s32 @!p4 $0x8;
	[sflag:s30] =	ssyncset.done @!p4 $0x0  }
0x1c2: {  	s25 =	simm.s32 @!p4 $0x28;
	[sflag:s30] =	ssyncadd.s32 @!p4 $0xFFFFFFD8;
	s30 =	simm.s32 @!p4 $0x780  }
0x1c3: {  	[tilespmem:s30], [sflag:$0x6] =	stream.indirect.gather @!p4 [hbm4b:s23+s25], $0x80, s29, s25, $0xb8;
	[tilespmem:$0x1A400] =	vst v63  }
0x1c4: {  	_ =	swait.ge @!p4 [sflag:s8], $0x1400  }
0x1c5: {  	s17 =	simm.s32 @!p4 $0xC;
	[sflag:s8] =	ssyncset.done @!p4 $0x0  }
0x1c6: {  	s30 =	simm.s32 @!p4 $0x2F80;
	[sflag:s8] =	ssyncadd.s32 @!p4 $0xFFFFEC00;
	s8 =	simm.s32 @!p4 $0x600  }
0x1c7: {  	[spmem:s2] =	stream.indirect.scatter.add.f32 @!p4 [tilespmem:s30], [sflag:$0xD], $0x80, s8, s25, $0xb8;
	[tilespmem:$0x1A400] =	vst v63  }
0x1c8: {  	_ =	swait.ge @!p4 [sflag:s17], $0x1400  }
0x1c9: {  	s8 =	rddreg [dreg:$0x7]  }
0x1ca: {  	[sflag:s17] =	ssyncset.done @!p4 $0x0;
	s0 =	rddreg [dreg:$0x8]  }
0x1cb: {  	[sflag:s17] =	ssyncadd.s32 @!p4 $0xFFFFEC00;
	s17 =	sadd.s32 @!p4 s10, s8;
	s8 =	simm.s32 @!p4 $0x100  }
0x1cc: {  	[tilespmem:s8], [sflag:$0x3] =	stream.linear.gather @!p4 [hbm4b:s17+s29], $0x28, $0x38;
	[tilespmem:$0x1A400] =	vst v63  }
0x1cd: {  	s4 =	simm.s32 @!p4 $0x2;
	s0 =	sadd.s32 @!p4 s10, s0;
	s17 =	simm.s32 @!p4 $0x380  }
0x1ce: {  	[tilespmem:s17], [sflag:$0x3] =	stream.linear.gather @!p4 [hbm4b:s0+s29], $0x28, $0x38;
	[tilespmem:$0x1A400] =	vst v63  }
0x1cf: {  	_ =	swait.ge @!p4 [sflag:s4], $0x28  }
0x1d0: {  	[sflag:s4] =	ssyncset.done @!p4 $0x0  }
0x1d1: {  	[sflag:s4] =	ssyncadd.s32 @!p4 $0xFFFFFFD8  }
0x1d2: {  	_ =	swait.ge @!p4 [sflag:s4], $0x28  }
0x1d3: {  	[sflag:s4] =	ssyncset.done @!p4 $0x0  }
0x1d4: {  	s0 =	simm.s32 @!p4 $0x1B80;
	[sflag:s4] =	ssyncadd.s32 @!p4 $0xFFFFFFD8  }
0x1d5: {  	[tilespmem:s0], [sflag:$0x7] =	stream.indirect.gather @!p4 [hbm4b:s23+s25], $0x80, s20, s25, $0xb8;
	[tilespmem:$0x1A400] =	vst v63  }
0x1d6: {  	_ =	swait.ge [sflag:s24], $0x1400  }
0x1d7: {  	[sflag:s24] =	ssyncset.done $0x0  }
0x1d8: {  	[sflag:s24] =	ssyncadd.s32 $0xFFFFEC00  }
0x1d9: {  	[spmem:s2] =	stream.indirect.scatter.add.f32 [tilespmem:s7], [sflag:$0xE], $0x80, s11, s6, $0xb8;
	[tilespmem:$0x1A400] =	vst v63  }
0x1da: {  	s11 =	simm.s32 $0xD  }
0x1db: {  	_ =	swait.ge [sflag:s11], $0x1400  }
0x1dc: {  	s17 =	simm.s32 @!p4 $0x180;
	s0 =	rddreg [dreg:$0x5];
	[sflag:s11] =	ssyncset.done $0x0  }
0x1dd: {  	s4 =	rddreg [dreg:$0x6];
	[sflag:s11] =	ssyncadd.s32 $0xFFFFEC00;
	s0 =	sadd.s32 @!p4 s10, s0  }
0x1de: {  	[tilespmem:s17], [sflag:$0x4] =	stream.linear.gather @!p4 [hbm4b:s0+s29], $0x28, $0x38;
	[tilespmem:$0x1A400] =	vst v63  }
0x1df: {  	s0 =	sadd.s32 @!p4 s10, s4;
	s4 =	simm.s32 @!p4 $0x400;
	s17 =	simm.s32 @!p4 $0x3  }
0x1e0: {  	[tilespmem:s4], [sflag:$0x4] =	stream.linear.gather @!p4 [hbm4b:s0+s29], $0x28, $0x38;
	[tilespmem:$0x1A400] =	vst v63  }
0x1e1: {  	_ =	swait.ge @!p4 [sflag:s17], $0x28  }
0x1e2: {  	s16 =	sadd.s32 $0x32, s16;
	[sflag:s17] =	ssyncset.done @!p4 $0x0  }
0x1e3: {  	p3 =	sne.s32 s16, $0x4E2;
	s1 =	smov.u32 s23;
	[sflag:s17] =	ssyncadd.s32 @!p4 $0xFFFFFFD8  }
0x1e4: {  	s21 =	smov.u32 s2;
	s29 =	rddreg [dreg:$0x1a];
	_ =	swait.ge @!p4 [sflag:s17], $0x28  }
.Ltmp2:
0x1e5: {  	s12 =	sadd.s32 $0x190, s12;
	[sflag:s17] =	ssyncset.done @!p4 $0x0;
	(pc) =	sbr.rel @p3 .LBB2_2-.Ltmp2, $4  }
0x1e6: {  	s31 =	simm.s32 $0xA;
	s28 =	simm.s32 $0x280;
	[sflag:s17] =	ssyncadd.s32 @!p4 $0xFFFFFFD8  }
0x1e7: {  	[tilespmem:s30], [sflag:$0x8] =	stream.indirect.gather @!p4 [hbm4b:s23+s25], $0x80, s8, s25, $0xb8;
	[tilespmem:$0x1A400] =	vst v63  }
0x1e8: {  	s10 =	smov.u32 s29;
	s17 =	simm.s32 $0x300;
	_ =	swait.ge [sflag:s31], $0x1400  }
0x1e9: {  	s30 =	simm.s32 $0x80;
	p4 =	seq.s32 s10, $0x0;
	[sflag:s31] =	ssyncset.done $0x0  }
0x1ea: {  	s0 =	simm.s32 @!p4 $0xE  }
0x1eb: {  	[sflag:s31] =	ssyncadd.s32 $0xFFFFEC00;
	s25 =	simm.s32 $0x5780;
	s4 =	simm.s32 $0x700  }
0x1ec: {  	[spmem:s21] =	stream.indirect.scatter.add.f32 [tilespmem:s25], [sflag:$0xF], $0x80, s4, s6, $0xb8;
	[tilespmem:$0x1A400] =	vst v63  }
0x1ed: {  	_ =	swait.ge @!p4 [sflag:s0], $0x1400  }
0x1ee: {  	s5 =	simm.s32 $0x200;
	s18 =	rddreg [dreg:$0x16];
	[sflag:s0] =	ssyncset.done @!p4 $0x0  }
0x1ef: {  	s8 =	rddreg [dreg:$0x17];
	[sflag:s0] =	ssyncadd.s32 @!p4 $0xFFFFEC00;
	s20 =	sadd.s32 s10, s18  }
0x1f0: {  	[tilespmem:s5], [sflag:$0x5] =	stream.linear.gather [hbm4b:s20+s3], $0x28, $0x38;
	[tilespmem:$0x1A400] =	vst v63  }
0x1f1: {  	s26 =	simm.s32 $0x480;
	s21 =	sadd.s32 s10, s8  }
0x1f2: {  	[tilespmem:s26], [sflag:$0x5] =	stream.linear.gather [hbm4b:s21+s3], $0x28, $0x38;
	[tilespmem:$0x1A400] =	vst v63  }
0x1f3: {  	_ =	swait.ge [sflag:s13], $0x28  }
0x1f4: {  	[sflag:s13] =	ssyncset.done $0x0  }
0x1f5: {  	[sflag:s13] =	ssyncadd.s32 $0xFFFFFFD8  }
0x1f6: {  	_ =	swait.ge [sflag:s13], $0x28  }
0x1f7: {  	s7 =	simm.s32 $0x4380;
	[sflag:s13] =	ssyncset.done $0x0  }
0x1f8: {  	s15 =	simm.s32 $0x6;
	s21 =	simm.s32 $0x180;
	[sflag:s13] =	ssyncadd.s32 $0xFFFFFFD8  }
0x1f9: {  	[tilespmem:s7], [sflag:$0x9] =	stream.indirect.gather [hbm4b:s1+s6], $0x80, s21, s6, $0xb8;
	[tilespmem:$0x1A400] =	vst v63  }
0x1fa: {  	_ =	swait.ge [sflag:s15], $0x1400  }
0x1fb: {  	[sflag:s15] =	ssyncset.done $0x0  }
0x1fc: {  	s0 =	simm.s32 @!p4 $0xF;
	s20 =	simm.s32 $0x780;
	[sflag:s15] =	ssyncadd.s32 $0xFFFFEC00  }
0x1fd: {  	[spmem:s2] =	stream.indirect.scatter.add.f32 [tilespmem:s20], [sflag:$0xB], $0x80, s28, s6, $0xb8;
	[tilespmem:$0x1A400] =	vst v63  }
0x1fe: {  	_ =	swait.ge @!p4 [sflag:s0], $0x1400  }
0x1ff: {  	s22 =	rddreg [dreg:$0x14];
	[sflag:s0] =	ssyncset.done @!p4 $0x0  }
0x200: {  	s24 =	rddreg [dreg:$0x15];
	[sflag:s0] =	ssyncadd.s32 @!p4 $0xFFFFEC00;
	s4 =	sadd.s32 s10, s22  }
0x201: {  	[tilespmem:s3], [sflag:$0x1] =	stream.linear.gather [hbm4b:s4+s3], $0x28, $0x38;
	[tilespmem:$0x1A400] =	vst v63  }
0x202: {  	s9 =	sadd.s32 s10, s24;
	s22 =	simm.s32 $0x500  }
0x203: {  	[tilespmem:s22], [sflag:$0x1] =	stream.linear.gather [hbm4b:s9+s3], $0x28, $0x38;
	[tilespmem:$0x1A400] =	vst v63  }
0x204: {  	_ =	swait.ge [sflag:s19], $0x28  }
0x205: {  	[sflag:s19] =	ssyncset.done $0x0  }
0x206: {  	[sflag:s19] =	ssyncadd.s32 $0xFFFFFFD8  }
0x207: {  	_ =	swait.ge [sflag:s19], $0x28  }
0x208: {  	[sflag:s19] =	ssyncset.done $0x0  }
0x209: {  	s18 =	simm.s32 $0x7;
	[sflag:s19] =	ssyncadd.s32 $0xFFFFFFD8  }
0x20a: {  	[tilespmem:s25], [sflag:$0xA] =	stream.indirect.gather [hbm4b:s1+s6], $0x80, s5, s6, $0xb8;
	[tilespmem:$0x1A400] =	vst v63  }
0x20b: {  	_ =	swait.ge [sflag:s18], $0x1400  }
0x20c: {  	[sflag:s18] =	ssyncset.done $0x0  }
0x20d: {  	s24 =	simm.s32 $0x1B80;
	[sflag:s18] =	ssyncadd.s32 $0xFFFFEC00  }
0x20e: {  	[spmem:s2] =	stream.indirect.scatter.add.f32 [tilespmem:s24], [sflag:$0xC], $0x80, s17, s6, $0xb8;
	[tilespmem:$0x1A400] =	vst v63  }
0x20f: {  	s17 =	simm.s32 $0xB  }
0x210: {  	_ =	swait.ge [sflag:s17], $0x1400  }
0x211: {  	s14 =	rddreg [dreg:$0x12];
	[sflag:s17] =	ssyncset.done $0x0  }
0x212: {  	s16 =	rddreg [dreg:$0x13];
	[sflag:s17] =	ssyncadd.s32 $0xFFFFEC00;
	s0 =	sadd.s32 s10, s14  }
0x213: {  	[tilespmem:s30], [sflag:$0x2] =	stream.linear.gather [hbm4b:s0+s3], $0x28, $0x38;
	[tilespmem:$0x1A400] =	vst v63  }
0x214: {  	s8 =	simm.s32 $0x1;
	s4 =	sadd.s32 s10, s16;
	s16 =	simm.s32 $0x580  }
0x215: {  	[tilespmem:s16], [sflag:$0x2] =	stream.linear.gather [hbm4b:s4+s3], $0x28, $0x38;
	[tilespmem:$0x1A400] =	vst v63  }
0x216: {  	_ =	swait.ge [sflag:s8], $0x28  }
0x217: {  	[sflag:s8] =	ssyncset.done $0x0  }
0x218: {  	[sflag:s8] =	ssyncadd.s32 $0xFFFFFFD8  }
0x219: {  	_ =	swait.ge [sflag:s8], $0x28  }
0x21a: {  	[sflag:s8] =	ssyncset.done $0x0  }
0x21b: {  	s9 =	simm.s32 $0x8;
	[sflag:s8] =	ssyncadd.s32 $0xFFFFFFD8  }
0x21c: {  	[tilespmem:s20], [sflag:$0x6] =	stream.indirect.gather [hbm4b:s1+s6], $0x80, s3, s6, $0xb8;
	[tilespmem:$0x1A400] =	vst v63  }
0x21d: {  	_ =	swait.ge [sflag:s9], $0x1400  }
0x21e: {  	s14 =	simm.s32 $0x380;
	[sflag:s9] =	ssyncset.done $0x0  }
0x21f: {  	s0 =	simm.s32 $0xC;
	s1 =	simm.s32 $0x2F80;
	[sflag:s9] =	ssyncadd.s32 $0xFFFFEC00  }
0x220: {  	[spmem:s2] =	stream.indirect.scatter.add.f32 [tilespmem:s1], [sflag:$0xD], $0x80, s14, s6, $0xb8;
	[tilespmem:$0x1A400] =	vst v63  }
0x221: {  	_ =	swait.ge [sflag:s0], $0x1400  }
0x222: {  	s9 =	rddreg [dreg:$0x10]  }
0x223: {  	[sflag:s0] =	ssyncset.done $0x0;
	s4 =	rddreg [dreg:$0x11]  }
0x224: {  	[sflag:s0] =	ssyncadd.s32 $0xFFFFEC00;
	s0 =	sadd.s32 s10, s9;
	s9 =	simm.s32 $0x100  }
0x225: {  	[tilespmem:s9], [sflag:$0x3] =	stream.linear.gather [hbm4b:s0+s3], $0x28, $0x38;
	[tilespmem:$0x1A400] =	vst v63  }
0x226: {  	s14 =	rddreg [dreg:$0x18];
	s4 =	sadd.s32 s10, s4  }
0x227: {  	[tilespmem:s14], [sflag:$0x3] =	stream.linear.gather [hbm4b:s4+s3], $0x28, $0x38;
	[tilespmem:$0x1A400] =	vst v63  }
0x228: {  	s14 =	simm.s32 $0x2  }
0x229: {  	_ =	swait.ge [sflag:s14], $0x28  }
0x22a: {  	[sflag:s14] =	ssyncset.done $0x0  }
0x22b: {  	[sflag:s14] =	ssyncadd.s32 $0xFFFFFFD8  }
0x22c: {  	_ =	swait.ge [sflag:s14], $0x28  }
0x22d: {  	[sflag:s14] =	ssyncset.done $0x0  }
0x22e: {  	s29 =	simm.s32 $0x9;
	[sflag:s14] =	ssyncadd.s32 $0xFFFFFFD8  }
0x22f: {  	[tilespmem:s24], [sflag:$0x7] =	stream.indirect.gather [hbm4b:s23+s6], $0x80, s30, s6, $0xb8;
	[tilespmem:$0x1A400] =	vst v63  }
0x230: {  	_ =	swait.ge [sflag:s29], $0x1400  }
0x231: {  	[sflag:s29] =	ssyncset.done $0x0  }
0x232: {  	s4 =	simm.s32 $0x400;
	[sflag:s29] =	ssyncadd.s32 $0xFFFFEC00  }
0x233: {  	[spmem:s2] =	stream.indirect.scatter.add.f32 [tilespmem:s7], [sflag:$0xE], $0x80, s4, s6, $0xb8;
	[tilespmem:$0x1A400] =	vst v63  }
0x234: {  	_ =	swait.ge [sflag:s11], $0x1400  }
0x235: {  	s8 =	rddreg [dreg:$0xe];
	[sflag:s11] =	ssyncset.done $0x0  }
0x236: {  	s14 =	rddreg [dreg:$0xf];
	[sflag:s11] =	ssyncadd.s32 $0xFFFFEC00;
	s0 =	sadd.s32 s10, s8  }
0x237: {  	[tilespmem:s21], [sflag:$0x4] =	stream.linear.gather [hbm4b:s0+s3], $0x28, $0x38;
	[tilespmem:$0x1A400] =	vst v63  }
0x238: {  	s4 =	sadd.s32 s10, s14;
	s14 =	simm.s32 $0x680;
	s8 =	simm.s32 $0x3  }
0x239: {  	[tilespmem:s14], [sflag:$0x4] =	stream.linear.gather [hbm4b:s4+s3], $0x28, $0x38;
	[tilespmem:$0x1A400] =	vst v63  }
0x23a: {  	_ =	swait.ge [sflag:s8], $0x28  }
0x23b: {  	[sflag:s8] =	ssyncset.done $0x0  }
0x23c: {  	[sflag:s8] =	ssyncadd.s32 $0xFFFFFFD8  }
0x23d: {  	_ =	swait.ge [sflag:s8], $0x28  }
0x23e: {  	[sflag:s8] =	ssyncset.done $0x0  }
0x23f: {  	[sflag:s8] =	ssyncadd.s32 $0xFFFFFFD8  }
0x240: {  	[tilespmem:s1], [sflag:$0x8] =	stream.indirect.gather [hbm4b:s23+s6], $0x80, s9, s6, $0xb8;
	[tilespmem:$0x1A400] =	vst v63  }
0x241: {  	_ =	swait.ge [sflag:s31], $0x1400  }
0x242: {  	[sflag:s31] =	ssyncset.done $0x0  }
0x243: {  	s1 =	smov.u32 s23;
	s23 =	simm.s32 $0xE;
	[sflag:s31] =	ssyncadd.s32 $0xFFFFEC00  }
0x244: {  	[spmem:s2] =	stream.indirect.scatter.add.f32 [tilespmem:s25], [sflag:$0xF], $0x80, s26, s6, $0xb8;
	[tilespmem:$0x1A400] =	vst v63  }
0x245: {  	_ =	swait.ge [sflag:s23], $0x1400  }
0x246: {  	s11 =	rddreg [dreg:$0xc];
	[sflag:s23] =	ssyncset.done $0x0  }
0x247: {  	s26 =	rddreg [dreg:$0xd];
	[sflag:s23] =	ssyncadd.s32 $0xFFFFEC00;
	s0 =	sadd.s32 s10, s11  }
0x248: {  	[tilespmem:s5], [sflag:$0x5] =	stream.linear.gather [hbm4b:s0+s3], $0x28, $0x38;
	[tilespmem:$0x1A400] =	vst v63  }
0x249: {  	s9 =	simm.s32 $0x700;
	s8 =	sadd.s32 s10, s26  }
0x24a: {  	[tilespmem:s9], [sflag:$0x5] =	stream.linear.gather [hbm4b:s8+s3], $0x28, $0x38;
	[tilespmem:$0x1A400] =	vst v63  }
0x24b: {  	_ =	swait.ge [sflag:s13], $0x28  }
0x24c: {  	[sflag:s13] =	ssyncset.done $0x0  }
0x24d: {  	[sflag:s13] =	ssyncadd.s32 $0xFFFFFFD8  }
0x24e: {  	_ =	swait.ge [sflag:s13], $0x28  }
0x24f: {  	[sflag:s13] =	ssyncset.done $0x0  }
0x250: {  	[sflag:s13] =	ssyncadd.s32 $0xFFFFFFD8  }
0x251: {  	[tilespmem:s7], [sflag:$0x9] =	stream.indirect.gather [hbm4b:s1+s6], $0x80, s21, s6, $0xb8;
	[tilespmem:$0x1A400] =	vst v63  }
0x252: {  	_ =	swait.ge [sflag:s15], $0x1400  }
0x253: {  	[sflag:s15] =	ssyncset.done $0x0  }
0x254: {  	[sflag:s15] =	ssyncadd.s32 $0xFFFFEC00  }
0x255: {  	[spmem:s2] =	stream.indirect.scatter.add.f32 [tilespmem:s20], [sflag:$0xB], $0x80, s22, s6, $0xb8;
	[tilespmem:$0x1A400] =	vst v63  }
0x256: {  	p3 =	seq.s32 s10, $0x4B0;
	s22 =	simm.s32 $0xF  }
0x257: {  	s0 =	sshrl.u32 @!p3 s12, $0x3;
	s12 =	simm.s32 @!p3 $0x0;
	_ =	swait.ge [sflag:s22], $0x1400  }
0x258: {  	s21 =	smov.u32 s2;
	[sflag:s22] =	ssyncset.done $0x0;
	s2 =	rddreg [dreg:$0x19]  }
0x259: {  	s4 =	rddreg [dreg:$0xb];
	[sflag:s22] =	ssyncadd.s32 $0xFFFFEC00;
	s0 =	sadd.s32 @!p3 s2, s0  }
0x25a: {  	[tilespmem:s12], [sflag:$0x1] =	stream.linear.gather @!p3 [hbm4b:s0+s12], $0x28, $0x38;
	[tilespmem:$0x1A400] =	vst v63  }
0x25b: {  	s0 =	sadd.s32 @!p3 s10, s4;
	s4 =	simm.s32 @!p3 $0x280  }
0x25c: {  	[tilespmem:s4], [sflag:$0x1] =	stream.linear.gather @!p3 [hbm4b:s0+s12], $0x28, $0x38;
	[tilespmem:$0x1A400] =	vst v63  }
0x25d: {  	_ =	swait.ge [sflag:s19], $0x28  }
0x25e: {  	[sflag:s19] =	ssyncset.done $0x0  }
0x25f: {  	[sflag:s19] =	ssyncadd.s32 $0xFFFFFFD8  }
0x260: {  	_ =	swait.ge [sflag:s19], $0x28  }
0x261: {  	[sflag:s19] =	ssyncset.done $0x0  }
0x262: {  	[sflag:s19] =	ssyncadd.s32 $0xFFFFFFD8  }
0x263: {  	[tilespmem:s25], [sflag:$0xA] =	stream.indirect.gather [hbm4b:s1+s6], $0x80, s5, s6, $0xb8;
	[tilespmem:$0x1A400] =	vst v63  }
0x264: {  	_ =	swait.ge [sflag:s18], $0x1400  }
0x265: {  	[sflag:s18] =	ssyncset.done $0x0  }
0x266: {  	[sflag:s18] =	ssyncadd.s32 $0xFFFFEC00  }
0x267: {  	[spmem:s21] =	stream.indirect.scatter.add.f32 [tilespmem:s24], [sflag:$0xC], $0x80, s16, s6, $0xb8;
	[tilespmem:$0x1A400] =	vst v63  }
0x268: {  	_ =	swait.ge [sflag:s17], $0x1400  }
0x269: {  	[sflag:s17] =	ssyncset.done $0x0  }
0x26a: {  	s0 =	simm.s32 @p3 $0x8;
	[sflag:s17] =	ssyncadd.s32 $0xFFFFEC00  }
0x26b: {  	_ =	swait.ge @p3 [sflag:s0], $0x1400  }
0x26c: {  	s8 =	simm.s32 @p3 $0xC;
	s4 =	simm.s32 @p3 $0x2F80;
	[sflag:s0] =	ssyncset.done @p3 $0x0  }
0x26d: {  	s16 =	simm.s32 @p3 $0x600;
	[sflag:s0] =	ssyncadd.s32 @p3 $0xFFFFEC00;
	s0 =	simm.s32 @p3 $0x28  }
0x26e: {  	[spmem:s21] =	stream.indirect.scatter.add.f32 @p3 [tilespmem:s4], [sflag:$0xD], $0x80, s16, s0, $0xb8;
	[tilespmem:$0x1A400] =	vst v63  }
0x26f: {  	_ =	swait.ge @p3 [sflag:s8], $0x1400  }
0x270: {  	s0 =	rddreg [dreg:$0x9]  }
0x271: {  	[sflag:s8] =	ssyncset.done @p3 $0x0;
	s4 =	rddreg [dreg:$0xa]  }
0x272: {  	[sflag:s8] =	ssyncadd.s32 @p3 $0xFFFFEC00;
	s0 =	sadd.s32 @!p3 s10, s0;
	s8 =	simm.s32 @!p3 $0x80  }
0x273: {  	[tilespmem:s8], [sflag:$0x2] =	stream.linear.gather @!p3 [hbm4b:s0+s12], $0x28, $0x38;
	[tilespmem:$0x1A400] =	vst v63  }
0x274: {  	s16 =	simm.s32 @!p3 $0x1;
	s0 =	sadd.s32 @!p3 s10, s4;
	s4 =	simm.s32 @!p3 $0x300  }
0x275: {  	[tilespmem:s4], [sflag:$0x2] =	stream.linear.gather @!p3 [hbm4b:s0+s12], $0x28, $0x38;
	[tilespmem:$0x1A400] =	vst v63  }
0x276: {  	_ =	swait.ge @!p3 [sflag:s16], $0x28  }
0x277: {  	[sflag:s16] =	ssyncset.done @!p3 $0x0  }
0x278: {  	[sflag:s16] =	ssyncadd.s32 @!p3 $0xFFFFFFD8  }
0x279: {  	_ =	swait.ge @!p3 [sflag:s16], $0x28  }
0x27a: {  	s0 =	simm.s32 @!p3 $0x8;
	[sflag:s16] =	ssyncset.done @!p3 $0x0  }
0x27b: {  	s4 =	simm.s32 @!p3 $0x28;
	[sflag:s16] =	ssyncadd.s32 @!p3 $0xFFFFFFD8;
	s16 =	simm.s32 @!p3 $0x780  }
0x27c: {  	[tilespmem:s16], [sflag:$0x6] =	stream.indirect.gather @!p3 [hbm4b:s1+s4], $0x80, s12, s4, $0xb8;
	[tilespmem:$0x1A400] =	vst v63  }
0x27d: {  	_ =	swait.ge @!p3 [sflag:s0], $0x1400  }
0x27e: {  	s17 =	simm.s32 @!p3 $0x2F80;
	[sflag:s0] =	ssyncset.done @!p3 $0x0  }
0x27f: {  	s16 =	simm.s32 @!p3 $0xC;
	[sflag:s0] =	ssyncadd.s32 @!p3 $0xFFFFEC00;
	s0 =	simm.s32 @!p3 $0x600  }
0x280: {  	[spmem:s21] =	stream.indirect.scatter.add.f32 @!p3 [tilespmem:s17], [sflag:$0xD], $0x80, s0, s4, $0xb8;
	[tilespmem:$0x1A400] =	vst v63  }
0x281: {  	_ =	swait.ge @!p3 [sflag:s16], $0x1400  }
0x282: {  	s0 =	rddreg [dreg:$0x7]  }
0x283: {  	[sflag:s16] =	ssyncset.done @!p3 $0x0;
	s20 =	rddreg [dreg:$0x8]  }
0x284: {  	[sflag:s16] =	ssyncadd.s32 @!p3 $0xFFFFEC00;
	s0 =	sadd.s32 @!p3 s10, s0;
	s16 =	simm.s32 @!p3 $0x100  }
0x285: {  	[tilespmem:s16], [sflag:$0x3] =	stream.linear.gather @!p3 [hbm4b:s0+s12], $0x28, $0x38;
	[tilespmem:$0x1A400] =	vst v63  }
0x286: {  	s0 =	sadd.s32 @!p3 s10, s20;
	s20 =	simm.s32 @!p3 $0x380  }
0x287: {  	[tilespmem:s20], [sflag:$0x3] =	stream.linear.gather @!p3 [hbm4b:s0+s12], $0x28, $0x38;
	[tilespmem:$0x1A400] =	vst v63  }
0x288: {  	s0 =	simm.s32 @!p3 $0x2  }
0x289: {  	_ =	swait.ge @!p3 [sflag:s0], $0x28  }
0x28a: {  	[sflag:s0] =	ssyncset.done @!p3 $0x0  }
0x28b: {  	[sflag:s0] =	ssyncadd.s32 @!p3 $0xFFFFFFD8  }
0x28c: {  	_ =	swait.ge @!p3 [sflag:s0], $0x28  }
0x28d: {  	[sflag:s0] =	ssyncset.done @!p3 $0x0  }
0x28e: {  	[sflag:s0] =	ssyncadd.s32 @!p3 $0xFFFFFFD8;
	s0 =	simm.s32 @!p3 $0x1B80  }
0x28f: {  	[tilespmem:s0], [sflag:$0x7] =	stream.indirect.gather @!p3 [hbm4b:s1+s4], $0x80, s8, s4, $0xb8;
	[tilespmem:$0x1A400] =	vst v63  }
0x290: {  	_ =	swait.ge [sflag:s29], $0x1400  }
0x291: {  	[sflag:s29] =	ssyncset.done $0x0  }
0x292: {  	s15 =	simm.s32 $0xD;
	[sflag:s29] =	ssyncadd.s32 $0xFFFFEC00  }
0x293: {  	[spmem:s21] =	stream.indirect.scatter.add.f32 [tilespmem:s7], [sflag:$0xE], $0x80, s14, s6, $0xb8;
	[tilespmem:$0x1A400] =	vst v63  }
0x294: {  	_ =	swait.ge [sflag:s15], $0x1400  }
0x295: {  	s20 =	simm.s32 @!p3 $0x180;
	s0 =	rddreg [dreg:$0x5];
	[sflag:s15] =	ssyncset.done $0x0  }
0x296: {  	s8 =	rddreg [dreg:$0x6];
	[sflag:s15] =	ssyncadd.s32 $0xFFFFEC00;
	s0 =	sadd.s32 @!p3 s10, s0  }
0x297: {  	[tilespmem:s20], [sflag:$0x4] =	stream.linear.gather @!p3 [hbm4b:s0+s12], $0x28, $0x38;
	[tilespmem:$0x1A400] =	vst v63  }
0x298: {  	s0 =	sadd.s32 @!p3 s10, s8;
	s8 =	simm.s32 @!p3 $0x400  }
0x299: {  	[tilespmem:s8], [sflag:$0x4] =	stream.linear.gather @!p3 [hbm4b:s0+s12], $0x28, $0x38;
	[tilespmem:$0x1A400] =	vst v63  }
0x29a: {  	s0 =	simm.s32 @!p3 $0x3  }
0x29b: {  	_ =	swait.ge @!p3 [sflag:s0], $0x28  }
0x29c: {  	[sflag:s0] =	ssyncset.done @!p3 $0x0  }
0x29d: {  	[sflag:s0] =	ssyncadd.s32 @!p3 $0xFFFFFFD8  }
0x29e: {  	_ =	swait.ge @!p3 [sflag:s0], $0x28  }
0x29f: {  	[sflag:s0] =	ssyncset.done @!p3 $0x0  }
0x2a0: {  	[sflag:s0] =	ssyncadd.s32 @!p3 $0xFFFFFFD8  }
0x2a1: {  	[tilespmem:s17], [sflag:$0x8] =	stream.indirect.gather @!p3 [hbm4b:s1+s4], $0x80, s16, s4, $0xb8;
	[tilespmem:$0x1A400] =	vst v63  }
0x2a2: {  	_ =	swait.ge [sflag:s31], $0x1400  }
0x2a3: {  	[sflag:s31] =	ssyncset.done $0x0  }
0x2a4: {  	s11 =	simm.s32 $0x700;
	[sflag:s31] =	ssyncadd.s32 $0xFFFFEC00  }
0x2a5: {  	[spmem:s21] =	stream.indirect.scatter.add.f32 [tilespmem:s25], [sflag:$0xF], $0x80, s11, s6, $0xb8;
	[tilespmem:$0x1A400] =	vst v63  }
0x2a6: {  	_ =	swait.ge [sflag:s23], $0x1400  }
0x2a7: {  	[sflag:s23] =	ssyncset.done $0x0  }
0x2a8: {  	[sflag:s23] =	ssyncadd.s32 $0xFFFFEC00  }
.Ltmp3:
0x2a9: {  	_ =	swait.ge [sflag:s22], $0x1400;
	(pc) =	sbr.rel @!p0 .LBB2_4-.Ltmp3, $4  }
0x2aa: {  	[sflag:s22] =	ssyncset.done $0x0  }
0x2ab: {  	s26 =	simm.s32 $0x380;
	s9 =	simm.s32 $0x2;
	[sflag:s22] =	ssyncadd.s32 $0xFFFFEC00  }
0x2ac: {  	s29 =	simm.s32 $0x400;
	s14 =	simm.s32 $0x1B80;
	[bflag:$0x0] =	sbarrier.arrive $0xFFFF  }
0x2ad: {  	s15 =	simm.s32 $0x3;
	s20 =	simm.s32 $0x100;
	s25 =	simm.s32 $0x2F80  }
0x2ae: {  	s16 =	sld [smem:$0x7FD]  }
0x2af: {  	s0 =	sld [smem:$0x7FA]  }
0x2b0: {  	s4 =	sld [smem:$0x7EF];
	_ =	sdelay $0x2  }
0x2b1: {  	[hbm:s0], [sflag:s16] =	dma.local [spmem:s4], $0x2700  }
.Ltmp4:
0x2b2: {  	_ = 	snop;
	(pc) =	sbr.rel @p1 .LBB2_7-.Ltmp4, $4  }
.Ltmp5:
0x2b3: {  	s10 =	simm.s32 $0x10;
	(pc) =	sbr.rel @!p1 .LBB2_6-.Ltmp5, $4  }
0x2b4: {  	_ =	swait.ge [sflag:s10], $0x2700  }
0x2b5: {  	[sflag:s10] =	ssyncset.done $0x0;
	s8 =	rddreg [dreg:$0x1c]  }
0x2b6: {  	s4 =	simm.s32 $0x180;
	s7 =	sld [smem:$0x7EE];
	[sflag:s10] =	ssyncadd.s32 $0xFFFFD900  }
0x2b7: {  	_ = 	snop  }
.LBB2_4:
0x2b8: {  	s16 =	sld [smem:$0x7FD]  }
0x2b9: {  	s0 =	sld [smem:$0x7F9]  }
0x2ba: {  	s4 =	sld [smem:$0x7EF];
	_ =	sdelay $0x2  }
0x2bb: {  	[hbm:s0], [sflag:s16] =	dma.local [spmem:s4], $0x2700  }
.Ltmp6:
0x2bc: {  	_ = 	snop;
	(pc) =	sbr.rel @!p2 .LBB2_7-.Ltmp6, $4  }
.Ltmp7:
0x2bd: {  	s10 =	simm.s32 $0x10;
	(pc) =	sbr.rel @p2 .LBB2_6-.Ltmp7, $4  }
0x2be: {  	_ =	swait.ge [sflag:s10], $0x2700  }
0x2bf: {  	[sflag:s10] =	ssyncset.done $0x0;
	s8 =	rddreg [dreg:$0x1b]  }
0x2c0: {  	s4 =	simm.s32 $0x180;
	s7 =	sld [smem:$0x7EE];
	[sflag:s10] =	ssyncadd.s32 $0xFFFFD900  }
0x2c1: {  	_ = 	snop  }
.LBB2_8:
0x2c2: {  	_ =	sfence.sel $0x180000  }
0x2c3: {  	[bflag:$0x0] =	sbarrier.arrive $0xFFFF  }
0x2c4: {  	_ =	strace $0x90000047  }
0x2c5: {  	[bflag:$0x2] =	sbarrier.arrive $0xFFFF  }
0x2c6: {  	s0 =	rddreg [dreg:$0x4]  }
0x2c7: {  	s0 =	sadd.s32 @!p1 $0x100000, s0  }
0x2c8: {  	[sflag:s0] =	ssyncadd.tile.s32 @!p1 $0x1;
	_ =	shalt  }
.Lfunc_end2:
_tile_overlayer_lowered:
.L_overlay_start_2:
0x2c9: {  	(tag) =	ssettag $0x2  }
0x2ca: {  	s0 =	rddreg [dreg:$0x0];
	s2 =	stileid.u32  }
0x2cb: {  	s1 =	rddreg [dreg:$0x1];
	p0 =	sne.s32 s2, $0x0  }
0x2cc: {  	s3 =	rddreg [dreg:$0x2];
	[bflag:$0x3] =	sbarrier.arrive $0xFFFF;
	s2 =	simm.s32 @!p0 $0x1C10  }
0x2cd: {  	[timem:s3], [sflag:s2] =	dma.local @!p0 [hbm:s0], s1  }
0x2ce: {  	s0 =	simm.s32 @!p0 $0x10  }
0x2cf: {  	_ =	swait.ge @!p0 [sflag:s0], s1  }
0x2d0: {  	s1 =	ssub.s32 @!p0 $0x0, s1;
	[sflag:s0] =	ssyncset.done @!p0 $0x0  }
0x2d1: {  	[sflag:s0] =	ssyncadd.s32 @!p0 s1  }
0x2d2: {  	[bflag:$0x3] =	sbarrier.arrive $0xFFFF  }
0x2d3: {  	_ =	shalt  }

</sc_bundles>
